<compile_context>
chip_gen: v7x
topology: tpu7x:2x2x1
jax: 0.10.2.dev20260603
libtpu: 0.0.44.dev20260713+nightly
codegen_flags: <defaults>
</compile_context>

<pallas_src>
import functools

import jax
import jax.numpy as jnp
from jax import lax
from jax.experimental import pallas as pl
from jax.experimental.pallas import tpu as pltpu
from jax.experimental.pallas import tpu_sc as plsc

VOCAB = 100000
HB = 256
HT = 256
SEQ = 50
NS = 16
LANES = 16
CH = 6256
NIT = CH // LANES
NVAL_LAST = VOCAB - (NS - 1) * CH
NIT_LAST = NVAL_LAST // LANES
H0 = 3136
H1 = CH - H0
H1_LAST = NVAL_LAST - H0
G0 = H0 // LANES
CAP = ((VOCAB - 1) >> 3 << 11) + (((VOCAB - 1) & 7) << 7)


def _body(x_hbm, uni_hbm, bi_hbm, tri_hbm, al_hbm, out_hbm,
          x_v, a_v, ib_v, it_v, u_v, b_v, t_v, o_v,
          loc_v, all_v, shared, sem_u, sem_b, sem_t):
    cid = lax.axis_index("c")
    wid = lax.axis_index("s")
    is_last = wid == NS - 1
    base = wid * CH

    cpy_u = pltpu.async_copy(uni_hbm.at[pl.ds(base, CH)], u_v, sem_u)

    pltpu.sync_copy(x_hbm, x_v.at[pl.ds(0, SEQ)])
    vt = x_v[pl.ds(48, 16)]
    t0 = vt[0]
    t1 = vt[1]
    bi_idx = jnp.bitwise_and(t1, HB - 1)
    tri_idx = jnp.bitwise_and(t0 * 31 + t1, HT - 1)

    cst_b = jnp.left_shift(jnp.right_shift(bi_idx, 7), 10) \
        + jnp.bitwise_and(bi_idx, 127)
    cst_t = jnp.left_shift(jnp.right_shift(tri_idx, 7), 10) \
        + jnp.bitwise_and(tri_idx, 127)

    lane = lax.iota(jnp.int32, 16)
    j0 = base + lane
    o0 = (jnp.left_shift(jnp.right_shift(j0, 3), 11)
          + jnp.left_shift(jnp.bitwise_and(j0, 7), 7))

    def ibody(i, ovec):
        ib_v[pl.ds(i * LANES, 16)] = ovec + cst_b
        it_v[pl.ds(i * LANES, 16)] = ovec + cst_t
        return jnp.minimum(ovec + 4096, CAP)

    lax.fori_loop(0, NIT, ibody, o0, unroll=4)

    cpy_b = pltpu.async_copy(bi_hbm.at[ib_v], b_v, sem_b)
    cpy_t = pltpu.async_copy(tri_hbm.at[it_v], t_v, sem_t)
    cpy_u.wait()
    cpy_b.wait()
    cpy_t.wait()

    @pl.when(is_last)
    def _():
        zv = jnp.zeros((16,), jnp.float32)
        for g in range(NIT_LAST, NIT):
            b_v[pl.ds(g * LANES, 16)] = zv
            t_v[pl.ds(g * LANES, 16)] = zv

    zero = jnp.zeros((16,), jnp.float32)

    def sbody(i, carry):
        au, ab, at_ = carry
        off = i * LANES
        return (au + u_v[pl.ds(off, 16)],
                ab + b_v[pl.ds(off, 16)],
                at_ + t_v[pl.ds(off, 16)])

    au, ab, at_ = lax.fori_loop(0, NIT, sbody, (zero, zero, zero), unroll=4)

    loc_v[pl.ds(0, 16)] = au
    loc_v[pl.ds(16, 16)] = ab
    loc_v[pl.ds(32, 16)] = at_
    pltpu.sync_copy(loc_v, shared.at[pl.ds(wid * 48, 48)])
    pltpu.sync_copy(al_hbm, a_v.at[pl.ds(0, 3)])
    plsc.subcore_barrier()
    pltpu.sync_copy(shared, all_v)

    su = zero
    sb = zero
    st = zero
    for w in range(NS):
        su = su + all_v[pl.ds(w * 48, 16)]
        sb = sb + all_v[pl.ds(w * 48 + 16, 16)]
        st = st + all_v[pl.ds(w * 48 + 32, 16)]
    s_uni = su[0]
    s_bi = sb[0]
    s_tri = st[0]
    for i in range(1, 16):
        s_uni = s_uni + su[i]
        s_bi = s_bi + sb[i]
        s_tri = s_tri + st[i]

    va = a_v[...]
    cu = jnp.broadcast_to(va[0], (16,)) / jnp.broadcast_to(s_uni, (16,))
    cb = jnp.broadcast_to(va[1], (16,)) / jnp.broadcast_to(s_bi, (16,))
    ct = jnp.broadcast_to(va[2], (16,)) / jnp.broadcast_to(s_tri, (16,))

    def obody(i, carry):
        off = i * LANES
        o_v[pl.ds(off, 16)] = (u_v[pl.ds(off, 16)] * cu
                               + b_v[pl.ds(off, 16)] * cb
                               + t_v[pl.ds(off, 16)] * ct)
        return carry

    c0 = cid == 0

    @pl.when(c0)
    def _():
        lax.fori_loop(0, G0, obody, 0, unroll=4)
        pltpu.sync_copy(o_v.at[pl.ds(0, H0)], out_hbm.at[pl.ds(base, H0)])

    @pl.when(jnp.logical_not(c0))
    def _():
        lax.fori_loop(G0, NIT, obody, 0, unroll=4)

    @pl.when(jnp.logical_not(c0) & jnp.logical_not(is_last))
    def _():
        pltpu.sync_copy(o_v.at[pl.ds(H0, H1)], out_hbm.at[pl.ds(base + H0, H1)])

    @pl.when(jnp.logical_not(c0) & is_last)
    def _():
        pltpu.sync_copy(o_v.at[pl.ds(H0, H1_LAST)],
                        out_hbm.at[pl.ds(base + H0, H1_LAST)])


def _flat_view(table):
    n_rows, n_cols = table.shape
    return (table.T.reshape(n_cols // 8, 8, n_rows // 128, 128)
            .transpose(0, 2, 1, 3)
            .reshape(n_rows * n_cols))


@functools.partial(jax.jit, static_argnames=())
def kernel(x, uni_counts, bi_counts, tri_counts, alphas):
    run = pl.kernel(
        _body,
        out_type=jax.ShapeDtypeStruct((VOCAB,), jnp.float32),
        mesh=plsc.VectorSubcoreMesh(core_axis_name="c", subcore_axis_name="s"),
        scratch_types=[
            pltpu.VMEM((64,), jnp.int32),
            pltpu.VMEM((16,), jnp.float32),
            pltpu.VMEM((CH,), jnp.int32),
            pltpu.VMEM((CH,), jnp.int32),
            pltpu.VMEM((CH,), jnp.float32),
            pltpu.VMEM((CH,), jnp.float32),
            pltpu.VMEM((CH,), jnp.float32),
            pltpu.VMEM((CH,), jnp.float32),
            pltpu.VMEM((48,), jnp.float32),
            pltpu.VMEM((NS * 48,), jnp.float32),
            pltpu.VMEM_SHARED((NS * 48,), jnp.float32),
            pltpu.SemaphoreType.DMA,
            pltpu.SemaphoreType.DMA,
            pltpu.SemaphoreType.DMA,
        ],
    )
    uni_pad = jnp.pad(uni_counts, (0, NS * CH - VOCAB))
    return run(
        x.astype(jnp.int32),
        uni_pad,
        _flat_view(bi_counts),
        _flat_view(tri_counts),
        alphas,
    )

# --- scband reference (transcript-rebuilt; emitter-appended) ---
"""Pipeline reference for scband-trigram-lm-88055419502947 (READ-ONLY COPY).

The authoritative reference and input builder live on the scoring server;
editing this copy changes nothing except your own understanding.
"""

import jax, jax.numpy as jnp
import numpy as np

VOCAB = 100000
HB = 256   # hashed bigram-context buckets
HT = 256   # hashed trigram-context buckets
SEQ = 50


def setup_inputs(seed: int = 0) -> dict:
    key = jax.random.key(seed)
    k1, k2, k3, k4 = jax.random.split(key, 4)
    # context token sequence (forward arg `x`)
    x = jax.random.randint(k1, (SEQ,), 0, VOCAB)
    # learned/state: n-gram count tables (analog of self._grams populated by set_ngrams)
    uni_counts = jax.random.uniform(k2, (VOCAB,), dtype=jnp.float32) * 100.0 + 1.0
    bi_counts = jax.random.uniform(k3, (HB, VOCAB), dtype=jnp.float32) * 10.0 + 0.1
    tri_counts = jax.random.uniform(k4, (HT, VOCAB), dtype=jnp.float32) * 5.0 + 0.1
    alphas = jnp.array([0.33, 0.33, 1.0 - 0.66], dtype=jnp.float32)
    return {
        "x": x,
        "uni_counts": uni_counts,
        "bi_counts": bi_counts,
        "tri_counts": tri_counts,
        "alphas": alphas,
    }


def reference(x, uni_counts, bi_counts, tri_counts, alphas):
    # Interpolated trigram LM: output[i] = sum_n alphas[n] * P_n(i | context)
    # n=0: unigram P(i) = count(i) / total  (tup_dict[-1] analog = table row sum)
    uni_total = jnp.sum(uni_counts)
    p_uni = uni_counts / uni_total
    # n=1: bigram context = x[-1:]; dict lookup modeled as hashed-row gather
    t1 = x[-1]
    t0 = x[-2]
    bi_row = jnp.take(bi_counts, jnp.mod(t1, HB), axis=0)
    p_bi = bi_row / jnp.sum(bi_row)
    # n=2: trigram context = x[-2:]; hashed-row gather
    tri_idx = jnp.mod(t0 * 31 + t1, HT)
    tri_row = jnp.take(tri_counts, tri_idx, axis=0)
    p_tri = tri_row / jnp.sum(tri_row)
    # output[i] = np.dot(preds, alphas)
    preds = jnp.stack([p_uni, p_bi, p_tri], axis=1)  # [VOCAB, 3]
    output = preds @ alphas  # [VOCAB]
    return output

if __name__ == "__main__":
    import jax
    _d = setup_inputs()
    print(jax.jit(kernel)(*tuple(_d.values())))

</pallas_src>

<mosaic_0001>
#map = affine_map<(d0, d1) -> (0)>
module attributes {stable_mosaic.version = 14 : i64} {
  func.func @_body(%arg0: i32, %arg1: i32, %arg2: memref<50xi32, #tpu.memory_space<hbm>>, %arg3: memref<100096xf32, #tpu.memory_space<hbm>>, %arg4: memref<25600000xf32, #tpu.memory_space<hbm>>, %arg5: memref<25600000xf32, #tpu.memory_space<hbm>>, %arg6: memref<3xf32, #tpu.memory_space<hbm>>, %arg7: memref<100000xf32, #tpu.memory_space<hbm>>, %arg8: memref<64xi32, #tpu.memory_space<vmem>>, %arg9: memref<16xf32, #tpu.memory_space<vmem>>, %arg10: memref<6256xi32, #tpu.memory_space<vmem>>, %arg11: memref<6256xi32, #tpu.memory_space<vmem>>, %arg12: memref<6256xf32, #tpu.memory_space<vmem>>, %arg13: memref<6256xf32, #tpu.memory_space<vmem>>, %arg14: memref<6256xf32, #tpu.memory_space<vmem>>, %arg15: memref<6256xf32, #tpu.memory_space<vmem>>, %arg16: memref<48xf32, #tpu.memory_space<vmem>>, %arg17: memref<768xf32, #tpu.memory_space<vmem>>, %arg18: memref<768xf32, #tpu.memory_space<vmem_shared>>, %arg19: memref<!tpu.dma_semaphore, #tpu.memory_space<semaphore_mem>>, %arg20: memref<!tpu.dma_semaphore, #tpu.memory_space<semaphore_mem>>, %arg21: memref<!tpu.dma_semaphore, #tpu.memory_space<semaphore_mem>>) attributes {dimension_semantics = [#tpu.dimension_semantics<core_parallel>, #tpu.dimension_semantics<subcore_parallel>], iteration_bounds = array<i64: 2, 16>, scalar_prefetch = 0 : i64, scratch_operands = 14 : i64, tpu.core_type = #tpu.core_type<sc_vector_subcore>, window_params = [{transform_indices = #map}, {transform_indices = #map}, {transform_indices = #map}, {transform_indices = #map}, {transform_indices = #map}, {transform_indices = #map}]} {
    %eq3A = arith.constant 15 : i32
    %eq3A_0 = arith.cmpi eq, %arg1, %eq3A : i32
    %mul3A = arith.constant 6256 : i32
    %mul3A_1 = arith.muli %arg1, %mul3A : i32
    %dma_start3A = tpu.memref_slice %arg3[%mul3A_1] : memref<100096xf32, #tpu.memory_space<hbm>> -> memref<6256xf32, #tpu.memory_space<hbm>>
    %dma_start3A_2 = tpu.memref_slice %arg3[%mul3A_1] : memref<100096xf32, #tpu.memory_space<hbm>> -> memref<6256xf32, #tpu.memory_space<hbm>>
    tpu.enqueue_dma source(%dma_start3A_2 : memref<6256xf32, #tpu.memory_space<hbm>>) target(%arg12 : memref<6256xf32, #tpu.memory_space<vmem>>) target_semaphore(%arg19 : memref<!tpu.dma_semaphore, #tpu.memory_space<semaphore_mem>>)
    "tpu.region"() ({
      %run_scoped3A = tpu.sem_alloc : memref<!tpu.dma_semaphore, #tpu.memory_space<semaphore_mem>>
      %dma_start3A_566 = arith.constant 0 : i32
      %dma_start3A_567 = tpu.memref_slice %arg8[%dma_start3A_566] : memref<64xi32, #tpu.memory_space<vmem>> -> memref<50xi32, #tpu.memory_space<vmem>>
      %dma_start3A_568 = arith.constant 0 : i32
      %dma_start3A_569 = tpu.memref_slice %arg8[%dma_start3A_568] : memref<64xi32, #tpu.memory_space<vmem>> -> memref<50xi32, #tpu.memory_space<vmem>>
      tpu.enqueue_dma source(%arg2 : memref<50xi32, #tpu.memory_space<hbm>>) target(%dma_start3A_569 : memref<50xi32, #tpu.memory_space<vmem>>) target_semaphore(%run_scoped3A : memref<!tpu.dma_semaphore, #tpu.memory_space<semaphore_mem>>)
      %dma_wait3A_570 = arith.constant 0 : i32
      %dma_wait3A_571 = tpu.memref_slice %arg8[%dma_wait3A_570] : memref<64xi32, #tpu.memory_space<vmem>> -> memref<50xi32, #tpu.memory_space<vmem>>
      %dma_wait3A_572 = arith.constant 0 : i32
      %dma_wait3A_573 = tpu.memref_slice %arg8[%dma_wait3A_572] : memref<64xi32, #tpu.memory_space<vmem>> -> memref<50xi32, #tpu.memory_space<vmem>>
      tpu.wait_dma2 semaphore(%run_scoped3A : memref<!tpu.dma_semaphore, #tpu.memory_space<semaphore_mem>>) src(%arg2 : memref<50xi32, #tpu.memory_space<hbm>>) dst(%dma_wait3A_573 : memref<50xi32, #tpu.memory_space<vmem>>)
      tpu.yield
    }) : () -> ()
    %get3A = arith.constant 48 : index
    %get3A_3 = tpu.vector_load %arg8[%get3A] {strides = array<i32>} : memref<64xi32, #tpu.memory_space<vmem>>, vector<16xi32>,
    %get3A_4 = vector.shape_cast %get3A_3 : vector<16xi32> to vector<16xi32>
    %slice3A = vector.extract_strided_slice %get3A_4 {offsets = [0], sizes = [1], strides = [1]} : vector<16xi32> to vector<1xi32>
    %squeeze3A = vector.extract %slice3A[0] : i32 from vector<1xi32>
    %slice3A_5 = vector.extract_strided_slice %get3A_4 {offsets = [1], sizes = [1], strides = [1]} : vector<16xi32> to vector<1xi32>
    %squeeze3A_6 = vector.extract %slice3A_5[0] : i32 from vector<1xi32>
    %and3A = arith.constant 255 : i32
    %and3A_7 = arith.andi %squeeze3A_6, %and3A : i32
    %mul3A_8 = arith.constant 31 : i32
    %mul3A_9 = arith.muli %squeeze3A, %mul3A_8 : i32
    %add3A = arith.addi %mul3A_9, %squeeze3A_6 : i32
    %and3A_10 = arith.constant 255 : i32
    %and3A_11 = arith.andi %add3A, %and3A_10 : i32
    %shift_right_arithmetic3A = arith.constant 7 : i32
    %shift_right_arithmetic3A_12 = arith.shrsi %and3A_7, %shift_right_arithmetic3A : i32
    %shift_left3A = arith.constant 10 : i32
    %shift_left3A_13 = arith.shli %shift_right_arithmetic3A_12, %shift_left3A : i32
    %and3A_14 = arith.constant 127 : i32
    %and3A_15 = arith.andi %and3A_7, %and3A_14 : i32
    %add3A_16 = arith.addi %shift_left3A_13, %and3A_15 : i32
    %shift_right_arithmetic3A_17 = arith.constant 7 : i32
    %shift_right_arithmetic3A_18 = arith.shrsi %and3A_11, %shift_right_arithmetic3A_17 : i32
    %shift_left3A_19 = arith.constant 10 : i32
    %shift_left3A_20 = arith.shli %shift_right_arithmetic3A_18, %shift_left3A_19 : i32
    %and3A_21 = arith.constant 127 : i32
    %and3A_22 = arith.andi %and3A_11, %and3A_21 : i32
    %add3A_23 = arith.addi %shift_left3A_20, %and3A_22 : i32
    %iota3A = tpu.iota {dimensions = array<i32: 0>} : vector<16xi32>
    %add3A_24 = vector.broadcast %mul3A_1 : i32 to vector<16xi32>
    %add3A_25 = arith.addi %add3A_24, %iota3A : vector<16xi32>
    %shift_right_arithmetic3A_26 = arith.constant 3 : i32
    %shift_right_arithmetic3A_27 = vector.broadcast %shift_right_arithmetic3A_26 : i32 to vector<16xi32>
    %shift_right_arithmetic3A_28 = arith.shrsi %add3A_25, %shift_right_arithmetic3A_27 : vector<16xi32>
    %shift_left3A_29 = arith.constant 11 : i32
    %shift_left3A_30 = vector.broadcast %shift_left3A_29 : i32 to vector<16xi32>
    %shift_left3A_31 = arith.shli %shift_right_arithmetic3A_28, %shift_left3A_30 : vector<16xi32>
    %and3A_32 = arith.constant 7 : i32
    %and3A_33 = vector.broadcast %and3A_32 : i32 to vector<16xi32>
    %and3A_34 = arith.andi %add3A_25, %and3A_33 : vector<16xi32>
    %shift_left3A_35 = arith.constant 7 : i32
    %shift_left3A_36 = vector.broadcast %shift_left3A_35 : i32 to vector<16xi32>
    %shift_left3A_37 = arith.shli %and3A_34, %shift_left3A_36 : vector<16xi32>
    %add3A_38 = arith.addi %shift_left3A_31, %shift_left3A_37 : vector<16xi32>
    %scan3A = arith.constant 0 : i32
    %scan3A_39 = arith.constant 388 : i32
    %scan3A_40 = arith.addi %scan3A, %scan3A_39 : i32
    %scan3A_41 = arith.constant 4 : i32
    %scan3A_42 = scf.for %scan3A_566 = %scan3A to %scan3A_40 step %scan3A_41 iter_args(%scan3A_567 = %add3A_38) -> (vector<16xi32>)  : i32 {
      %add3A_568 = vector.broadcast %add3A_16 : i32 to vector<16xi32>
      %add3A_569 = arith.addi %scan3A_567, %add3A_568 : vector<16xi32>
      %mul3A_570 = arith.constant 16 : i32
      %mul3A_571 = arith.muli %scan3A_566, %mul3A_570 : i32
      %swap3A_572 = arith.index_cast %mul3A_571 : i32 to index
      %swap3A_573 = tpu.vector_load %arg10[%swap3A_572] {strides = array<i32>} : memref<6256xi32, #tpu.memory_space<vmem>>, vector<16xi32>,
      %swap3A_574 = vector.shape_cast %swap3A_573 : vector<16xi32> to vector<16xi32>
      %swap3A_575 = vector.shape_cast %add3A_569 : vector<16xi32> to vector<16xi32>
      tpu.vector_store %arg10[%swap3A_572], %swap3A_575 {strides = array<i32>} : memref<6256xi32, #tpu.memory_space<vmem>>, vector<16xi32>,
      %add3A_576 = vector.broadcast %add3A_23 : i32 to vector<16xi32>
      %add3A_577 = arith.addi %scan3A_567, %add3A_576 : vector<16xi32>
      %mul3A_578 = arith.constant 16 : i32
      %mul3A_579 = arith.muli %scan3A_566, %mul3A_578 : i32
      %swap3A_580 = arith.index_cast %mul3A_579 : i32 to index
      %swap3A_581 = tpu.vector_load %arg11[%swap3A_580] {strides = array<i32>} : memref<6256xi32, #tpu.memory_space<vmem>>, vector<16xi32>,
      %swap3A_582 = vector.shape_cast %swap3A_581 : vector<16xi32> to vector<16xi32>
      %swap3A_583 = vector.shape_cast %add3A_577 : vector<16xi32> to vector<16xi32>
      tpu.vector_store %arg11[%swap3A_580], %swap3A_583 {strides = array<i32>} : memref<6256xi32, #tpu.memory_space<vmem>>, vector<16xi32>,
      %add3A_584 = arith.constant 4096 : i32
      %add3A_585 = vector.broadcast %add3A_584 : i32 to vector<16xi32>
      %add3A_586 = arith.addi %scan3A_567, %add3A_585 : vector<16xi32>
      %min3A_587 = arith.constant 25598848 : i32
      %min3A_588 = vector.broadcast %min3A_587 : i32 to vector<16xi32>
      %min3A_589 = arith.minsi %add3A_586, %min3A_588 : vector<16xi32>
      %scan3A_590 = arith.constant 1 : i32
      %scan3A_591 = arith.addi %scan3A_566, %scan3A_590 : i32
      %add3A_592 = vector.broadcast %add3A_16 : i32 to vector<16xi32>
      %add3A_593 = arith.addi %min3A_589, %add3A_592 : vector<16xi32>
      %mul3A_594 = arith.constant 16 : i32
      %mul3A_595 = arith.muli %scan3A_591, %mul3A_594 : i32
      %swap3A_596 = arith.index_cast %mul3A_595 : i32 to index
      %swap3A_597 = tpu.vector_load %arg10[%swap3A_596] {strides = array<i32>} : memref<6256xi32, #tpu.memory_space<vmem>>, vector<16xi32>,
      %swap3A_598 = vector.shape_cast %swap3A_597 : vector<16xi32> to vector<16xi32>
      %swap3A_599 = vector.shape_cast %add3A_593 : vector<16xi32> to vector<16xi32>
      tpu.vector_store %arg10[%swap3A_596], %swap3A_599 {strides = array<i32>} : memref<6256xi32, #tpu.memory_space<vmem>>, vector<16xi32>,
      %add3A_600 = vector.broadcast %add3A_23 : i32 to vector<16xi32>
      %add3A_601 = arith.addi %min3A_589, %add3A_600 : vector<16xi32>
      %mul3A_602 = arith.constant 16 : i32
      %mul3A_603 = arith.muli %scan3A_591, %mul3A_602 : i32
      %swap3A_604 = arith.index_cast %mul3A_603 : i32 to index
      %swap3A_605 = tpu.vector_load %arg11[%swap3A_604] {strides = array<i32>} : memref<6256xi32, #tpu.memory_space<vmem>>, vector<16xi32>,
      %swap3A_606 = vector.shape_cast %swap3A_605 : vector<16xi32> to vector<16xi32>
      %swap3A_607 = vector.shape_cast %add3A_601 : vector<16xi32> to vector<16xi32>
      tpu.vector_store %arg11[%swap3A_604], %swap3A_607 {strides = array<i32>} : memref<6256xi32, #tpu.memory_space<vmem>>, vector<16xi32>,
      %add3A_608 = arith.constant 4096 : i32
      %add3A_609 = vector.broadcast %add3A_608 : i32 to vector<16xi32>
      %add3A_610 = arith.addi %min3A_589, %add3A_609 : vector<16xi32>
      %min3A_611 = arith.constant 25598848 : i32
      %min3A_612 = vector.broadcast %min3A_611 : i32 to vector<16xi32>
      %min3A_613 = arith.minsi %add3A_610, %min3A_612 : vector<16xi32>
      %scan3A_614 = arith.constant 2 : i32
      %scan3A_615 = arith.addi %scan3A_566, %scan3A_614 : i32
      %add3A_616 = vector.broadcast %add3A_16 : i32 to vector<16xi32>
      %add3A_617 = arith.addi %min3A_613, %add3A_616 : vector<16xi32>
      %mul3A_618 = arith.constant 16 : i32
      %mul3A_619 = arith.muli %scan3A_615, %mul3A_618 : i32
      %swap3A_620 = arith.index_cast %mul3A_619 : i32 to index
      %swap3A_621 = tpu.vector_load %arg10[%swap3A_620] {strides = array<i32>} : memref<6256xi32, #tpu.memory_space<vmem>>, vector<16xi32>,
      %swap3A_622 = vector.shape_cast %swap3A_621 : vector<16xi32> to vector<16xi32>
      %swap3A_623 = vector.shape_cast %add3A_617 : vector<16xi32> to vector<16xi32>
      tpu.vector_store %arg10[%swap3A_620], %swap3A_623 {strides = array<i32>} : memref<6256xi32, #tpu.memory_space<vmem>>, vector<16xi32>,
      %add3A_624 = vector.broadcast %add3A_23 : i32 to vector<16xi32>
      %add3A_625 = arith.addi %min3A_613, %add3A_624 : vector<16xi32>
      %mul3A_626 = arith.constant 16 : i32
      %mul3A_627 = arith.muli %scan3A_615, %mul3A_626 : i32
      %swap3A_628 = arith.index_cast %mul3A_627 : i32 to index
      %swap3A_629 = tpu.vector_load %arg11[%swap3A_628] {strides = array<i32>} : memref<6256xi32, #tpu.memory_space<vmem>>, vector<16xi32>,
      %swap3A_630 = vector.shape_cast %swap3A_629 : vector<16xi32> to vector<16xi32>
      %swap3A_631 = vector.shape_cast %add3A_625 : vector<16xi32> to vector<16xi32>
      tpu.vector_store %arg11[%swap3A_628], %swap3A_631 {strides = array<i32>} : memref<6256xi32, #tpu.memory_space<vmem>>, vector<16xi32>,
      %add3A_632 = arith.constant 4096 : i32
      %add3A_633 = vector.broadcast %add3A_632 : i32 to vector<16xi32>
      %add3A_634 = arith.addi %min3A_613, %add3A_633 : vector<16xi32>
      %min3A_635 = arith.constant 25598848 : i32
      %min3A_636 = vector.broadcast %min3A_635 : i32 to vector<16xi32>
      %min3A_637 = arith.minsi %add3A_634, %min3A_636 : vector<16xi32>
      %scan3A_638 = arith.constant 3 : i32
      %scan3A_639 = arith.addi %scan3A_566, %scan3A_638 : i32
      %add3A_640 = vector.broadcast %add3A_16 : i32 to vector<16xi32>
      %add3A_641 = arith.addi %min3A_637, %add3A_640 : vector<16xi32>
      %mul3A_642 = arith.constant 16 : i32
      %mul3A_643 = arith.muli %scan3A_639, %mul3A_642 : i32
      %swap3A_644 = arith.index_cast %mul3A_643 : i32 to index
      %swap3A_645 = tpu.vector_load %arg10[%swap3A_644] {strides = array<i32>} : memref<6256xi32, #tpu.memory_space<vmem>>, vector<16xi32>,
      %swap3A_646 = vector.shape_cast %swap3A_645 : vector<16xi32> to vector<16xi32>
      %swap3A_647 = vector.shape_cast %add3A_641 : vector<16xi32> to vector<16xi32>
      tpu.vector_store %arg10[%swap3A_644], %swap3A_647 {strides = array<i32>} : memref<6256xi32, #tpu.memory_space<vmem>>, vector<16xi32>,
      %add3A_648 = vector.broadcast %add3A_23 : i32 to vector<16xi32>
      %add3A_649 = arith.addi %min3A_637, %add3A_648 : vector<16xi32>
      %mul3A_650 = arith.constant 16 : i32
      %mul3A_651 = arith.muli %scan3A_639, %mul3A_650 : i32
      %swap3A_652 = arith.index_cast %mul3A_651 : i32 to index
      %swap3A_653 = tpu.vector_load %arg11[%swap3A_652] {strides = array<i32>} : memref<6256xi32, #tpu.memory_space<vmem>>, vector<16xi32>,
      %swap3A_654 = vector.shape_cast %swap3A_653 : vector<16xi32> to vector<16xi32>
      %swap3A_655 = vector.shape_cast %add3A_649 : vector<16xi32> to vector<16xi32>
      tpu.vector_store %arg11[%swap3A_652], %swap3A_655 {strides = array<i32>} : memref<6256xi32, #tpu.memory_space<vmem>>, vector<16xi32>,
      %add3A_656 = arith.constant 4096 : i32
      %add3A_657 = vector.broadcast %add3A_656 : i32 to vector<16xi32>
      %add3A_658 = arith.addi %min3A_637, %add3A_657 : vector<16xi32>
      %min3A_659 = arith.constant 25598848 : i32
      %min3A_660 = vector.broadcast %min3A_659 : i32 to vector<16xi32>
      %min3A_661 = arith.minsi %add3A_658, %min3A_660 : vector<16xi32>
      scf.yield %min3A_661 : vector<16xi32>
    }
    %scan3A_43 = arith.constant 388 : i32
    %scan3A_44 = arith.addi %scan3A, %scan3A_43 : i32
    %add3A_45 = vector.broadcast %add3A_16 : i32 to vector<16xi32>
    %add3A_46 = arith.addi %scan3A_42, %add3A_45 : vector<16xi32>
    %mul3A_47 = arith.constant 16 : i32
    %mul3A_48 = arith.muli %scan3A_44, %mul3A_47 : i32
    %swap3A = arith.index_cast %mul3A_48 : i32 to index
    %swap3A_49 = tpu.vector_load %arg10[%swap3A] {strides = array<i32>} : memref<6256xi32, #tpu.memory_space<vmem>>, vector<16xi32>,
    %swap3A_50 = vector.shape_cast %swap3A_49 : vector<16xi32> to vector<16xi32>
    %swap3A_51 = vector.shape_cast %add3A_46 : vector<16xi32> to vector<16xi32>
    tpu.vector_store %arg10[%swap3A], %swap3A_51 {strides = array<i32>} : memref<6256xi32, #tpu.memory_space<vmem>>, vector<16xi32>,
    %add3A_52 = vector.broadcast %add3A_23 : i32 to vector<16xi32>
    %add3A_53 = arith.addi %scan3A_42, %add3A_52 : vector<16xi32>
    %mul3A_54 = arith.constant 16 : i32
    %mul3A_55 = arith.muli %scan3A_44, %mul3A_54 : i32
    %swap3A_56 = arith.index_cast %mul3A_55 : i32 to index
    %swap3A_57 = tpu.vector_load %arg11[%swap3A_56] {strides = array<i32>} : memref<6256xi32, #tpu.memory_space<vmem>>, vector<16xi32>,
    %swap3A_58 = vector.shape_cast %swap3A_57 : vector<16xi32> to vector<16xi32>
    %swap3A_59 = vector.shape_cast %add3A_53 : vector<16xi32> to vector<16xi32>
    tpu.vector_store %arg11[%swap3A_56], %swap3A_59 {strides = array<i32>} : memref<6256xi32, #tpu.memory_space<vmem>>, vector<16xi32>,
    %add3A_60 = arith.constant 4096 : i32
    %add3A_61 = vector.broadcast %add3A_60 : i32 to vector<16xi32>
    %add3A_62 = arith.addi %scan3A_42, %add3A_61 : vector<16xi32>
    %min3A = arith.constant 25598848 : i32
    %min3A_63 = vector.broadcast %min3A : i32 to vector<16xi32>
    %min3A_64 = arith.minsi %add3A_62, %min3A_63 : vector<16xi32>
    %scan3A_65 = arith.constant 389 : i32
    %scan3A_66 = arith.addi %scan3A, %scan3A_65 : i32
    %add3A_67 = vector.broadcast %add3A_16 : i32 to vector<16xi32>
    %add3A_68 = arith.addi %min3A_64, %add3A_67 : vector<16xi32>
    %mul3A_69 = arith.constant 16 : i32
    %mul3A_70 = arith.muli %scan3A_66, %mul3A_69 : i32
    %swap3A_71 = arith.index_cast %mul3A_70 : i32 to index
    %swap3A_72 = tpu.vector_load %arg10[%swap3A_71] {strides = array<i32>} : memref<6256xi32, #tpu.memory_space<vmem>>, vector<16xi32>,
    %swap3A_73 = vector.shape_cast %swap3A_72 : vector<16xi32> to vector<16xi32>
    %swap3A_74 = vector.shape_cast %add3A_68 : vector<16xi32> to vector<16xi32>
    tpu.vector_store %arg10[%swap3A_71], %swap3A_74 {strides = array<i32>} : memref<6256xi32, #tpu.memory_space<vmem>>, vector<16xi32>,
    %add3A_75 = vector.broadcast %add3A_23 : i32 to vector<16xi32>
    %add3A_76 = arith.addi %min3A_64, %add3A_75 : vector<16xi32>
    %mul3A_77 = arith.constant 16 : i32
    %mul3A_78 = arith.muli %scan3A_66, %mul3A_77 : i32
    %swap3A_79 = arith.index_cast %mul3A_78 : i32 to index
    %swap3A_80 = tpu.vector_load %arg11[%swap3A_79] {strides = array<i32>} : memref<6256xi32, #tpu.memory_space<vmem>>, vector<16xi32>,
    %swap3A_81 = vector.shape_cast %swap3A_80 : vector<16xi32> to vector<16xi32>
    %swap3A_82 = vector.shape_cast %add3A_76 : vector<16xi32> to vector<16xi32>
    tpu.vector_store %arg11[%swap3A_79], %swap3A_82 {strides = array<i32>} : memref<6256xi32, #tpu.memory_space<vmem>>, vector<16xi32>,
    %add3A_83 = arith.constant 4096 : i32
    %add3A_84 = vector.broadcast %add3A_83 : i32 to vector<16xi32>
    %add3A_85 = arith.addi %min3A_64, %add3A_84 : vector<16xi32>
    %min3A_86 = arith.constant 25598848 : i32
    %min3A_87 = vector.broadcast %min3A_86 : i32 to vector<16xi32>
    %min3A_88 = arith.minsi %add3A_85, %min3A_87 : vector<16xi32>
    %scan3A_89 = arith.constant 390 : i32
    %scan3A_90 = arith.addi %scan3A, %scan3A_89 : i32
    %add3A_91 = vector.broadcast %add3A_16 : i32 to vector<16xi32>
    %add3A_92 = arith.addi %min3A_88, %add3A_91 : vector<16xi32>
    %mul3A_93 = arith.constant 16 : i32
    %mul3A_94 = arith.muli %scan3A_90, %mul3A_93 : i32
    %swap3A_95 = arith.index_cast %mul3A_94 : i32 to index
    %swap3A_96 = tpu.vector_load %arg10[%swap3A_95] {strides = array<i32>} : memref<6256xi32, #tpu.memory_space<vmem>>, vector<16xi32>,
    %swap3A_97 = vector.shape_cast %swap3A_96 : vector<16xi32> to vector<16xi32>
    %swap3A_98 = vector.shape_cast %add3A_92 : vector<16xi32> to vector<16xi32>
    tpu.vector_store %arg10[%swap3A_95], %swap3A_98 {strides = array<i32>} : memref<6256xi32, #tpu.memory_space<vmem>>, vector<16xi32>,
    %add3A_99 = vector.broadcast %add3A_23 : i32 to vector<16xi32>
    %add3A_100 = arith.addi %min3A_88, %add3A_99 : vector<16xi32>
    %mul3A_101 = arith.constant 16 : i32
    %mul3A_102 = arith.muli %scan3A_90, %mul3A_101 : i32
    %swap3A_103 = arith.index_cast %mul3A_102 : i32 to index
    %swap3A_104 = tpu.vector_load %arg11[%swap3A_103] {strides = array<i32>} : memref<6256xi32, #tpu.memory_space<vmem>>, vector<16xi32>,
    %swap3A_105 = vector.shape_cast %swap3A_104 : vector<16xi32> to vector<16xi32>
    %swap3A_106 = vector.shape_cast %add3A_100 : vector<16xi32> to vector<16xi32>
    tpu.vector_store %arg11[%swap3A_103], %swap3A_106 {strides = array<i32>} : memref<6256xi32, #tpu.memory_space<vmem>>, vector<16xi32>,
    %add3A_107 = arith.constant 4096 : i32
    %add3A_108 = vector.broadcast %add3A_107 : i32 to vector<16xi32>
    %add3A_109 = arith.addi %min3A_88, %add3A_108 : vector<16xi32>
    %min3A_110 = arith.constant 25598848 : i32
    %min3A_111 = vector.broadcast %min3A_110 : i32 to vector<16xi32>
    %min3A_112 = arith.minsi %add3A_109, %min3A_111 : vector<16xi32>
    %scan3A_113 = arith.constant 391 : i32
    %dma_start3A_114 = arith.constant 0 : i32
    %dma_start3A_115 = tpu.memref_slice %arg4[%dma_start3A_114] : memref<25600000xf32, #tpu.memory_space<hbm>> -> memref<25600000xf32, #tpu.memory_space<hbm>>
    tpu.enqueue_indirect_dma source(%dma_start3A_115 : memref<25600000xf32, #tpu.memory_space<hbm>>) target(%arg13 : memref<6256xf32, #tpu.memory_space<vmem>>) offsets(%arg10 : memref<6256xi32, #tpu.memory_space<vmem>>) semaphore(%arg20 : memref<!tpu.dma_semaphore, #tpu.memory_space<semaphore_mem>>)
    %dma_start3A_116 = arith.constant 0 : i32
    %dma_start3A_117 = tpu.memref_slice %arg5[%dma_start3A_116] : memref<25600000xf32, #tpu.memory_space<hbm>> -> memref<25600000xf32, #tpu.memory_space<hbm>>
    tpu.enqueue_indirect_dma source(%dma_start3A_117 : memref<25600000xf32, #tpu.memory_space<hbm>>) target(%arg14 : memref<6256xf32, #tpu.memory_space<vmem>>) offsets(%arg11 : memref<6256xi32, #tpu.memory_space<vmem>>) semaphore(%arg21 : memref<!tpu.dma_semaphore, #tpu.memory_space<semaphore_mem>>)
    %dma_wait3A = tpu.memref_slice %arg3[%mul3A_1] : memref<100096xf32, #tpu.memory_space<hbm>> -> memref<6256xf32, #tpu.memory_space<hbm>>
    %dma_wait3A_118 = tpu.memref_slice %arg3[%mul3A_1] : memref<100096xf32, #tpu.memory_space<hbm>> -> memref<6256xf32, #tpu.memory_space<hbm>>
    tpu.wait_dma2 semaphore(%arg19 : memref<!tpu.dma_semaphore, #tpu.memory_space<semaphore_mem>>) src(%dma_wait3A_118 : memref<6256xf32, #tpu.memory_space<hbm>>) dst(%arg12 : memref<6256xf32, #tpu.memory_space<vmem>>)
    %dma_wait3A_119 = arith.constant 0 : i32
    %dma_wait3A_120 = tpu.memref_slice %arg4[%dma_wait3A_119] : memref<25600000xf32, #tpu.memory_space<hbm>> -> memref<25600000xf32, #tpu.memory_space<hbm>>
    tpu.wait_indirect_dma semaphore(%arg20 : memref<!tpu.dma_semaphore, #tpu.memory_space<semaphore_mem>>) src(%dma_wait3A_120 : memref<25600000xf32, #tpu.memory_space<hbm>>) dst(%arg13 : memref<6256xf32, #tpu.memory_space<vmem>>)
    %dma_wait3A_121 = arith.constant 0 : i32
    %dma_wait3A_122 = tpu.memref_slice %arg5[%dma_wait3A_121] : memref<25600000xf32, #tpu.memory_space<hbm>> -> memref<25600000xf32, #tpu.memory_space<hbm>>
    tpu.wait_indirect_dma semaphore(%arg21 : memref<!tpu.dma_semaphore, #tpu.memory_space<semaphore_mem>>) src(%dma_wait3A_122 : memref<25600000xf32, #tpu.memory_space<hbm>>) dst(%arg14 : memref<6256xf32, #tpu.memory_space<vmem>>)
    %convert_element_type3A = arith.extui %eq3A_0 : i1 to i32
    %cond3A = arith.constant 0 : i32
    %cond3A_123 = arith.cmpi ne, %convert_element_type3A, %cond3A : i32
    scf.if %cond3A_123 {
      %broadcast_in_dim3A_566 = arith.constant 0.000000e+00 : f32
      %broadcast_in_dim3A_567 = vector.broadcast %broadcast_in_dim3A_566 : f32 to vector<16xf32>
      %swap3A_568 = arith.constant 6160 : index
      %swap3A_569 = tpu.vector_load %arg13[%swap3A_568] {strides = array<i32>} : memref<6256xf32, #tpu.memory_space<vmem>>, vector<16xf32>,
      %swap3A_570 = vector.shape_cast %swap3A_569 : vector<16xf32> to vector<16xf32>
      %swap3A_571 = vector.shape_cast %broadcast_in_dim3A_567 : vector<16xf32> to vector<16xf32>
      tpu.vector_store %arg13[%swap3A_568], %swap3A_571 {strides = array<i32>} : memref<6256xf32, #tpu.memory_space<vmem>>, vector<16xf32>,
      %swap3A_572 = arith.constant 6160 : index
      %swap3A_573 = tpu.vector_load %arg14[%swap3A_572] {strides = array<i32>} : memref<6256xf32, #tpu.memory_space<vmem>>, vector<16xf32>,
      %swap3A_574 = vector.shape_cast %swap3A_573 : vector<16xf32> to vector<16xf32>
      %swap3A_575 = vector.shape_cast %broadcast_in_dim3A_567 : vector<16xf32> to vector<16xf32>
      tpu.vector_store %arg14[%swap3A_572], %swap3A_575 {strides = array<i32>} : memref<6256xf32, #tpu.memory_space<vmem>>, vector<16xf32>,
      %swap3A_576 = arith.constant 6176 : index
      %swap3A_577 = tpu.vector_load %arg13[%swap3A_576] {strides = array<i32>} : memref<6256xf32, #tpu.memory_space<vmem>>, vector<16xf32>,
      %swap3A_578 = vector.shape_cast %swap3A_577 : vector<16xf32> to vector<16xf32>
      %swap3A_579 = vector.shape_cast %broadcast_in_dim3A_567 : vector<16xf32> to vector<16xf32>
      tpu.vector_store %arg13[%swap3A_576], %swap3A_579 {strides = array<i32>} : memref<6256xf32, #tpu.memory_space<vmem>>, vector<16xf32>,
      %swap3A_580 = arith.constant 6176 : index
      %swap3A_581 = tpu.vector_load %arg14[%swap3A_580] {strides = array<i32>} : memref<6256xf32, #tpu.memory_space<vmem>>, vector<16xf32>,
      %swap3A_582 = vector.shape_cast %swap3A_581 : vector<16xf32> to vector<16xf32>
      %swap3A_583 = vector.shape_cast %broadcast_in_dim3A_567 : vector<16xf32> to vector<16xf32>
      tpu.vector_store %arg14[%swap3A_580], %swap3A_583 {strides = array<i32>} : memref<6256xf32, #tpu.memory_space<vmem>>, vector<16xf32>,
      %swap3A_584 = arith.constant 6192 : index
      %swap3A_585 = tpu.vector_load %arg13[%swap3A_584] {strides = array<i32>} : memref<6256xf32, #tpu.memory_space<vmem>>, vector<16xf32>,
      %swap3A_586 = vector.shape_cast %swap3A_585 : vector<16xf32> to vector<16xf32>
      %swap3A_587 = vector.shape_cast %broadcast_in_dim3A_567 : vector<16xf32> to vector<16xf32>
      tpu.vector_store %arg13[%swap3A_584], %swap3A_587 {strides = array<i32>} : memref<6256xf32, #tpu.memory_space<vmem>>, vector<16xf32>,
      %swap3A_588 = arith.constant 6192 : index
      %swap3A_589 = tpu.vector_load %arg14[%swap3A_588] {strides = array<i32>} : memref<6256xf32, #tpu.memory_space<vmem>>, vector<16xf32>,
      %swap3A_590 = vector.shape_cast %swap3A_589 : vector<16xf32> to vector<16xf32>
      %swap3A_591 = vector.shape_cast %broadcast_in_dim3A_567 : vector<16xf32> to vector<16xf32>
      tpu.vector_store %arg14[%swap3A_588], %swap3A_591 {strides = array<i32>} : memref<6256xf32, #tpu.memory_space<vmem>>, vector<16xf32>,
      %swap3A_592 = arith.constant 6208 : index
      %swap3A_593 = tpu.vector_load %arg13[%swap3A_592] {strides = array<i32>} : memref<6256xf32, #tpu.memory_space<vmem>>, vector<16xf32>,
      %swap3A_594 = vector.shape_cast %swap3A_593 : vector<16xf32> to vector<16xf32>
      %swap3A_595 = vector.shape_cast %broadcast_in_dim3A_567 : vector<16xf32> to vector<16xf32>
      tpu.vector_store %arg13[%swap3A_592], %swap3A_595 {strides = array<i32>} : memref<6256xf32, #tpu.memory_space<vmem>>, vector<16xf32>,
      %swap3A_596 = arith.constant 6208 : index
      %swap3A_597 = tpu.vector_load %arg14[%swap3A_596] {strides = array<i32>} : memref<6256xf32, #tpu.memory_space<vmem>>, vector<16xf32>,
      %swap3A_598 = vector.shape_cast %swap3A_597 : vector<16xf32> to vector<16xf32>
      %swap3A_599 = vector.shape_cast %broadcast_in_dim3A_567 : vector<16xf32> to vector<16xf32>
      tpu.vector_store %arg14[%swap3A_596], %swap3A_599 {strides = array<i32>} : memref<6256xf32, #tpu.memory_space<vmem>>, vector<16xf32>,
      %swap3A_600 = arith.constant 6224 : index
      %swap3A_601 = tpu.vector_load %arg13[%swap3A_600] {strides = array<i32>} : memref<6256xf32, #tpu.memory_space<vmem>>, vector<16xf32>,
      %swap3A_602 = vector.shape_cast %swap3A_601 : vector<16xf32> to vector<16xf32>
      %swap3A_603 = vector.shape_cast %broadcast_in_dim3A_567 : vector<16xf32> to vector<16xf32>
      tpu.vector_store %arg13[%swap3A_600], %swap3A_603 {strides = array<i32>} : memref<6256xf32, #tpu.memory_space<vmem>>, vector<16xf32>,
      %swap3A_604 = arith.constant 6224 : index
      %swap3A_605 = tpu.vector_load %arg14[%swap3A_604] {strides = array<i32>} : memref<6256xf32, #tpu.memory_space<vmem>>, vector<16xf32>,
      %swap3A_606 = vector.shape_cast %swap3A_605 : vector<16xf32> to vector<16xf32>
      %swap3A_607 = vector.shape_cast %broadcast_in_dim3A_567 : vector<16xf32> to vector<16xf32>
      tpu.vector_store %arg14[%swap3A_604], %swap3A_607 {strides = array<i32>} : memref<6256xf32, #tpu.memory_space<vmem>>, vector<16xf32>,
      %swap3A_608 = arith.constant 6240 : index
      %swap3A_609 = tpu.vector_load %arg13[%swap3A_608] {strides = array<i32>} : memref<6256xf32, #tpu.memory_space<vmem>>, vector<16xf32>,
      %swap3A_610 = vector.shape_cast %swap3A_609 : vector<16xf32> to vector<16xf32>
      %swap3A_611 = vector.shape_cast %broadcast_in_dim3A_567 : vector<16xf32> to vector<16xf32>
      tpu.vector_store %arg13[%swap3A_608], %swap3A_611 {strides = array<i32>} : memref<6256xf32, #tpu.memory_space<vmem>>, vector<16xf32>,
      %swap3A_612 = arith.constant 6240 : index
      %swap3A_613 = tpu.vector_load %arg14[%swap3A_612] {strides = array<i32>} : memref<6256xf32, #tpu.memory_space<vmem>>, vector<16xf32>,
      %swap3A_614 = vector.shape_cast %swap3A_613 : vector<16xf32> to vector<16xf32>
      %swap3A_615 = vector.shape_cast %broadcast_in_dim3A_567 : vector<16xf32> to vector<16xf32>
      tpu.vector_store %arg14[%swap3A_612], %swap3A_615 {strides = array<i32>} : memref<6256xf32, #tpu.memory_space<vmem>>, vector<16xf32>,
    } else {
    }
    %broadcast_in_dim3A = arith.constant 0.000000e+00 : f32
    %broadcast_in_dim3A_124 = vector.broadcast %broadcast_in_dim3A : f32 to vector<16xf32>
    %scan3A_125 = arith.constant 0 : i32
    %scan3A_126 = arith.constant 388 : i32
    %scan3A_127 = arith.addi %scan3A_125, %scan3A_126 : i32
    %scan3A_128 = arith.constant 4 : i32
    %scan3A_129:3 = scf.for %scan3A_566 = %scan3A_125 to %scan3A_127 step %scan3A_128 iter_args(%scan3A_567 = %broadcast_in_dim3A_124, %scan3A_568 = %broadcast_in_dim3A_124, %scan3A_569 = %broadcast_in_dim3A_124) -> (vector<16xf32>, vector<16xf32>, vector<16xf32>)  : i32 {
      %mul3A_570 = arith.constant 16 : i32
      %mul3A_571 = arith.muli %scan3A_566, %mul3A_570 : i32
      %get3A_572 = arith.index_cast %mul3A_571 : i32 to index
      %get3A_573 = tpu.vector_load %arg12[%get3A_572] {strides = array<i32>} : memref<6256xf32, #tpu.memory_space<vmem>>, vector<16xf32>,
      %get3A_574 = vector.shape_cast %get3A_573 : vector<16xf32> to vector<16xf32>
      %add3A_575 = arith.addf %scan3A_567, %get3A_574 : vector<16xf32>
      %get3A_576 = arith.index_cast %mul3A_571 : i32 to index
      %get3A_577 = tpu.vector_load %arg13[%get3A_576] {strides = array<i32>} : memref<6256xf32, #tpu.memory_space<vmem>>, vector<16xf32>,
      %get3A_578 = vector.shape_cast %get3A_577 : vector<16xf32> to vector<16xf32>
      %add3A_579 = arith.addf %scan3A_568, %get3A_578 : vector<16xf32>
      %get3A_580 = arith.index_cast %mul3A_571 : i32 to index
      %get3A_581 = tpu.vector_load %arg14[%get3A_580] {strides = array<i32>} : memref<6256xf32, #tpu.memory_space<vmem>>, vector<16xf32>,
      %get3A_582 = vector.shape_cast %get3A_581 : vector<16xf32> to vector<16xf32>
      %add3A_583 = arith.addf %scan3A_569, %get3A_582 : vector<16xf32>
      %scan3A_584 = arith.constant 1 : i32
      %scan3A_585 = arith.addi %scan3A_566, %scan3A_584 : i32
      %mul3A_586 = arith.constant 16 : i32
      %mul3A_587 = arith.muli %scan3A_585, %mul3A_586 : i32
      %get3A_588 = arith.index_cast %mul3A_587 : i32 to index
      %get3A_589 = tpu.vector_load %arg12[%get3A_588] {strides = array<i32>} : memref<6256xf32, #tpu.memory_space<vmem>>, vector<16xf32>,
      %get3A_590 = vector.shape_cast %get3A_589 : vector<16xf32> to vector<16xf32>
      %add3A_591 = arith.addf %add3A_575, %get3A_590 : vector<16xf32>
      %get3A_592 = arith.index_cast %mul3A_587 : i32 to index
      %get3A_593 = tpu.vector_load %arg13[%get3A_592] {strides = array<i32>} : memref<6256xf32, #tpu.memory_space<vmem>>, vector<16xf32>,
      %get3A_594 = vector.shape_cast %get3A_593 : vector<16xf32> to vector<16xf32>
      %add3A_595 = arith.addf %add3A_579, %get3A_594 : vector<16xf32>
      %get3A_596 = arith.index_cast %mul3A_587 : i32 to index
      %get3A_597 = tpu.vector_load %arg14[%get3A_596] {strides = array<i32>} : memref<6256xf32, #tpu.memory_space<vmem>>, vector<16xf32>,
      %get3A_598 = vector.shape_cast %get3A_597 : vector<16xf32> to vector<16xf32>
      %add3A_599 = arith.addf %add3A_583, %get3A_598 : vector<16xf32>
      %scan3A_600 = arith.constant 2 : i32
      %scan3A_601 = arith.addi %scan3A_566, %scan3A_600 : i32
      %mul3A_602 = arith.constant 16 : i32
      %mul3A_603 = arith.muli %scan3A_601, %mul3A_602 : i32
      %get3A_604 = arith.index_cast %mul3A_603 : i32 to index
      %get3A_605 = tpu.vector_load %arg12[%get3A_604] {strides = array<i32>} : memref<6256xf32, #tpu.memory_space<vmem>>, vector<16xf32>,
      %get3A_606 = vector.shape_cast %get3A_605 : vector<16xf32> to vector<16xf32>
      %add3A_607 = arith.addf %add3A_591, %get3A_606 : vector<16xf32>
      %get3A_608 = arith.index_cast %mul3A_603 : i32 to index
      %get3A_609 = tpu.vector_load %arg13[%get3A_608] {strides = array<i32>} : memref<6256xf32, #tpu.memory_space<vmem>>, vector<16xf32>,
      %get3A_610 = vector.shape_cast %get3A_609 : vector<16xf32> to vector<16xf32>
      %add3A_611 = arith.addf %add3A_595, %get3A_610 : vector<16xf32>
      %get3A_612 = arith.index_cast %mul3A_603 : i32 to index
      %get3A_613 = tpu.vector_load %arg14[%get3A_612] {strides = array<i32>} : memref<6256xf32, #tpu.memory_space<vmem>>, vector<16xf32>,
      %get3A_614 = vector.shape_cast %get3A_613 : vector<16xf32> to vector<16xf32>
      %add3A_615 = arith.addf %add3A_599, %get3A_614 : vector<16xf32>
      %scan3A_616 = arith.constant 3 : i32
      %scan3A_617 = arith.addi %scan3A_566, %scan3A_616 : i32
      %mul3A_618 = arith.constant 16 : i32
      %mul3A_619 = arith.muli %scan3A_617, %mul3A_618 : i32
      %get3A_620 = arith.index_cast %mul3A_619 : i32 to index
      %get3A_621 = tpu.vector_load %arg12[%get3A_620] {strides = array<i32>} : memref<6256xf32, #tpu.memory_space<vmem>>, vector<16xf32>,
      %get3A_622 = vector.shape_cast %get3A_621 : vector<16xf32> to vector<16xf32>
      %add3A_623 = arith.addf %add3A_607, %get3A_622 : vector<16xf32>
      %get3A_624 = arith.index_cast %mul3A_619 : i32 to index
      %get3A_625 = tpu.vector_load %arg13[%get3A_624] {strides = array<i32>} : memref<6256xf32, #tpu.memory_space<vmem>>, vector<16xf32>,
      %get3A_626 = vector.shape_cast %get3A_625 : vector<16xf32> to vector<16xf32>
      %add3A_627 = arith.addf %add3A_611, %get3A_626 : vector<16xf32>
      %get3A_628 = arith.index_cast %mul3A_619 : i32 to index
      %get3A_629 = tpu.vector_load %arg14[%get3A_628] {strides = array<i32>} : memref<6256xf32, #tpu.memory_space<vmem>>, vector<16xf32>,
      %get3A_630 = vector.shape_cast %get3A_629 : vector<16xf32> to vector<16xf32>
      %add3A_631 = arith.addf %add3A_615, %get3A_630 : vector<16xf32>
      scf.yield %add3A_623, %add3A_627, %add3A_631 : vector<16xf32>, vector<16xf32>, vector<16xf32>
    }
    %scan3A_130 = arith.constant 388 : i32
    %scan3A_131 = arith.addi %scan3A_125, %scan3A_130 : i32
    %mul3A_132 = arith.constant 16 : i32
    %mul3A_133 = arith.muli %scan3A_131, %mul3A_132 : i32
    %get3A_134 = arith.index_cast %mul3A_133 : i32 to index
    %get3A_135 = tpu.vector_load %arg12[%get3A_134] {strides = array<i32>} : memref<6256xf32, #tpu.memory_space<vmem>>, vector<16xf32>,
    %get3A_136 = vector.shape_cast %get3A_135 : vector<16xf32> to vector<16xf32>
    %add3A_137 = arith.addf %scan3A_129#0, %get3A_136 : vector<16xf32>
    %get3A_138 = arith.index_cast %mul3A_133 : i32 to index
    %get3A_139 = tpu.vector_load %arg13[%get3A_138] {strides = array<i32>} : memref<6256xf32, #tpu.memory_space<vmem>>, vector<16xf32>,
    %get3A_140 = vector.shape_cast %get3A_139 : vector<16xf32> to vector<16xf32>
    %add3A_141 = arith.addf %scan3A_129#1, %get3A_140 : vector<16xf32>
    %get3A_142 = arith.index_cast %mul3A_133 : i32 to index
    %get3A_143 = tpu.vector_load %arg14[%get3A_142] {strides = array<i32>} : memref<6256xf32, #tpu.memory_space<vmem>>, vector<16xf32>,
    %get3A_144 = vector.shape_cast %get3A_143 : vector<16xf32> to vector<16xf32>
    %add3A_145 = arith.addf %scan3A_129#2, %get3A_144 : vector<16xf32>
    %scan3A_146 = arith.constant 389 : i32
    %scan3A_147 = arith.addi %scan3A_125, %scan3A_146 : i32
    %mul3A_148 = arith.constant 16 : i32
    %mul3A_149 = arith.muli %scan3A_147, %mul3A_148 : i32
    %get3A_150 = arith.index_cast %mul3A_149 : i32 to index
    %get3A_151 = tpu.vector_load %arg12[%get3A_150] {strides = array<i32>} : memref<6256xf32, #tpu.memory_space<vmem>>, vector<16xf32>,
    %get3A_152 = vector.shape_cast %get3A_151 : vector<16xf32> to vector<16xf32>
    %add3A_153 = arith.addf %add3A_137, %get3A_152 : vector<16xf32>
    %get3A_154 = arith.index_cast %mul3A_149 : i32 to index
    %get3A_155 = tpu.vector_load %arg13[%get3A_154] {strides = array<i32>} : memref<6256xf32, #tpu.memory_space<vmem>>, vector<16xf32>,
    %get3A_156 = vector.shape_cast %get3A_155 : vector<16xf32> to vector<16xf32>
    %add3A_157 = arith.addf %add3A_141, %get3A_156 : vector<16xf32>
    %get3A_158 = arith.index_cast %mul3A_149 : i32 to index
    %get3A_159 = tpu.vector_load %arg14[%get3A_158] {strides = array<i32>} : memref<6256xf32, #tpu.memory_space<vmem>>, vector<16xf32>,
    %get3A_160 = vector.shape_cast %get3A_159 : vector<16xf32> to vector<16xf32>
    %add3A_161 = arith.addf %add3A_145, %get3A_160 : vector<16xf32>
    %scan3A_162 = arith.constant 390 : i32
    %scan3A_163 = arith.addi %scan3A_125, %scan3A_162 : i32
    %mul3A_164 = arith.constant 16 : i32
    %mul3A_165 = arith.muli %scan3A_163, %mul3A_164 : i32
    %get3A_166 = arith.index_cast %mul3A_165 : i32 to index
    %get3A_167 = tpu.vector_load %arg12[%get3A_166] {strides = array<i32>} : memref<6256xf32, #tpu.memory_space<vmem>>, vector<16xf32>,
    %get3A_168 = vector.shape_cast %get3A_167 : vector<16xf32> to vector<16xf32>
    %add3A_169 = arith.addf %add3A_153, %get3A_168 : vector<16xf32>
    %get3A_170 = arith.index_cast %mul3A_165 : i32 to index
    %get3A_171 = tpu.vector_load %arg13[%get3A_170] {strides = array<i32>} : memref<6256xf32, #tpu.memory_space<vmem>>, vector<16xf32>,
    %get3A_172 = vector.shape_cast %get3A_171 : vector<16xf32> to vector<16xf32>
    %add3A_173 = arith.addf %add3A_157, %get3A_172 : vector<16xf32>
    %get3A_174 = arith.index_cast %mul3A_165 : i32 to index
    %get3A_175 = tpu.vector_load %arg14[%get3A_174] {strides = array<i32>} : memref<6256xf32, #tpu.memory_space<vmem>>, vector<16xf32>,
    %get3A_176 = vector.shape_cast %get3A_175 : vector<16xf32> to vector<16xf32>
    %add3A_177 = arith.addf %add3A_161, %get3A_176 : vector<16xf32>
    %scan3A_178 = arith.constant 391 : i32
    %swap3A_179 = arith.constant 0 : index
    %swap3A_180 = tpu.vector_load %arg16[%swap3A_179] {strides = array<i32>} : memref<48xf32, #tpu.memory_space<vmem>>, vector<16xf32>,
    %swap3A_181 = vector.shape_cast %swap3A_180 : vector<16xf32> to vector<16xf32>
    %swap3A_182 = vector.shape_cast %add3A_169 : vector<16xf32> to vector<16xf32>
    tpu.vector_store %arg16[%swap3A_179], %swap3A_182 {strides = array<i32>} : memref<48xf32, #tpu.memory_space<vmem>>, vector<16xf32>,
    %swap3A_183 = arith.constant 16 : index
    %swap3A_184 = tpu.vector_load %arg16[%swap3A_183] {strides = array<i32>} : memref<48xf32, #tpu.memory_space<vmem>>, vector<16xf32>,
    %swap3A_185 = vector.shape_cast %swap3A_184 : vector<16xf32> to vector<16xf32>
    %swap3A_186 = vector.shape_cast %add3A_173 : vector<16xf32> to vector<16xf32>
    tpu.vector_store %arg16[%swap3A_183], %swap3A_186 {strides = array<i32>} : memref<48xf32, #tpu.memory_space<vmem>>, vector<16xf32>,
    %swap3A_187 = arith.constant 32 : index
    %swap3A_188 = tpu.vector_load %arg16[%swap3A_187] {strides = array<i32>} : memref<48xf32, #tpu.memory_space<vmem>>, vector<16xf32>,
    %swap3A_189 = vector.shape_cast %swap3A_188 : vector<16xf32> to vector<16xf32>
    %swap3A_190 = vector.shape_cast %add3A_177 : vector<16xf32> to vector<16xf32>
    tpu.vector_store %arg16[%swap3A_187], %swap3A_190 {strides = array<i32>} : memref<48xf32, #tpu.memory_space<vmem>>, vector<16xf32>,
    %mul3A_191 = arith.constant 48 : i32
    %mul3A_192 = arith.muli %arg1, %mul3A_191 : i32
    "tpu.region"() ({
      %run_scoped3A = tpu.sem_alloc : memref<!tpu.dma_semaphore, #tpu.memory_space<semaphore_mem>>
      %dma_start3A_566 = tpu.memref_slice %arg18[%mul3A_192] : memref<768xf32, #tpu.memory_space<vmem_shared>> -> memref<48xf32, #tpu.memory_space<vmem_shared>>
      %dma_start3A_567 = tpu.memref_slice %arg18[%mul3A_192] : memref<768xf32, #tpu.memory_space<vmem_shared>> -> memref<48xf32, #tpu.memory_space<vmem_shared>>
      tpu.enqueue_dma source(%arg16 : memref<48xf32, #tpu.memory_space<vmem>>) target(%dma_start3A_567 : memref<48xf32, #tpu.memory_space<vmem_shared>>) target_semaphore(%run_scoped3A : memref<!tpu.dma_semaphore, #tpu.memory_space<semaphore_mem>>)
      %dma_wait3A_568 = tpu.memref_slice %arg18[%mul3A_192] : memref<768xf32, #tpu.memory_space<vmem_shared>> -> memref<48xf32, #tpu.memory_space<vmem_shared>>
      %dma_wait3A_569 = tpu.memref_slice %arg18[%mul3A_192] : memref<768xf32, #tpu.memory_space<vmem_shared>> -> memref<48xf32, #tpu.memory_space<vmem_shared>>
      tpu.wait_dma2 semaphore(%run_scoped3A : memref<!tpu.dma_semaphore, #tpu.memory_space<semaphore_mem>>) src(%arg16 : memref<48xf32, #tpu.memory_space<vmem>>) dst(%dma_wait3A_569 : memref<48xf32, #tpu.memory_space<vmem_shared>>)
      tpu.yield
    }) : () -> ()
    "tpu.region"() ({
      %run_scoped3A = tpu.sem_alloc : memref<!tpu.dma_semaphore, #tpu.memory_space<semaphore_mem>>
      %dma_start3A_566 = arith.constant 0 : i32
      %dma_start3A_567 = tpu.memref_slice %arg9[%dma_start3A_566] : memref<16xf32, #tpu.memory_space<vmem>> -> memref<3xf32, #tpu.memory_space<vmem>>
      %dma_start3A_568 = arith.constant 0 : i32
      %dma_start3A_569 = tpu.memref_slice %arg9[%dma_start3A_568] : memref<16xf32, #tpu.memory_space<vmem>> -> memref<3xf32, #tpu.memory_space<vmem>>
      tpu.enqueue_dma source(%arg6 : memref<3xf32, #tpu.memory_space<hbm>>) target(%dma_start3A_569 : memref<3xf32, #tpu.memory_space<vmem>>) target_semaphore(%run_scoped3A : memref<!tpu.dma_semaphore, #tpu.memory_space<semaphore_mem>>)
      %dma_wait3A_570 = arith.constant 0 : i32
      %dma_wait3A_571 = tpu.memref_slice %arg9[%dma_wait3A_570] : memref<16xf32, #tpu.memory_space<vmem>> -> memref<3xf32, #tpu.memory_space<vmem>>
      %dma_wait3A_572 = arith.constant 0 : i32
      %dma_wait3A_573 = tpu.memref_slice %arg9[%dma_wait3A_572] : memref<16xf32, #tpu.memory_space<vmem>> -> memref<3xf32, #tpu.memory_space<vmem>>
      tpu.wait_dma2 semaphore(%run_scoped3A : memref<!tpu.dma_semaphore, #tpu.memory_space<semaphore_mem>>) src(%arg6 : memref<3xf32, #tpu.memory_space<hbm>>) dst(%dma_wait3A_573 : memref<3xf32, #tpu.memory_space<vmem>>)
      tpu.yield
    }) : () -> ()
    %barrier3A = arith.constant 0 : index
    tpu.barrier barrier_id(%barrier3A)
    "tpu.region"() ({
      %run_scoped3A = tpu.sem_alloc : memref<!tpu.dma_semaphore, #tpu.memory_space<semaphore_mem>>
      tpu.enqueue_dma source(%arg18 : memref<768xf32, #tpu.memory_space<vmem_shared>>) target(%arg17 : memref<768xf32, #tpu.memory_space<vmem>>) target_semaphore(%run_scoped3A : memref<!tpu.dma_semaphore, #tpu.memory_space<semaphore_mem>>)
      tpu.wait_dma2 semaphore(%run_scoped3A : memref<!tpu.dma_semaphore, #tpu.memory_space<semaphore_mem>>) src(%arg18 : memref<768xf32, #tpu.memory_space<vmem_shared>>) dst(%arg17 : memref<768xf32, #tpu.memory_space<vmem>>)
      tpu.yield
    }) : () -> ()
    %get3A_193 = arith.constant 0 : index
    %get3A_194 = tpu.vector_load %arg17[%get3A_193] {strides = array<i32>} : memref<768xf32, #tpu.memory_space<vmem>>, vector<16xf32>,
    %get3A_195 = vector.shape_cast %get3A_194 : vector<16xf32> to vector<16xf32>
    %add3A_196 = arith.addf %broadcast_in_dim3A_124, %get3A_195 : vector<16xf32>
    %get3A_197 = arith.constant 16 : index
    %get3A_198 = tpu.vector_load %arg17[%get3A_197] {strides = array<i32>} : memref<768xf32, #tpu.memory_space<vmem>>, vector<16xf32>,
    %get3A_199 = vector.shape_cast %get3A_198 : vector<16xf32> to vector<16xf32>
    %add3A_200 = arith.addf %broadcast_in_dim3A_124, %get3A_199 : vector<16xf32>
    %get3A_201 = arith.constant 32 : index
    %get3A_202 = tpu.vector_load %arg17[%get3A_201] {strides = array<i32>} : memref<768xf32, #tpu.memory_space<vmem>>, vector<16xf32>,
    %get3A_203 = vector.shape_cast %get3A_202 : vector<16xf32> to vector<16xf32>
    %add3A_204 = arith.addf %broadcast_in_dim3A_124, %get3A_203 : vector<16xf32>
    %get3A_205 = arith.constant 48 : index
    %get3A_206 = tpu.vector_load %arg17[%get3A_205] {strides = array<i32>} : memref<768xf32, #tpu.memory_space<vmem>>, vector<16xf32>,
    %get3A_207 = vector.shape_cast %get3A_206 : vector<16xf32> to vector<16xf32>
    %add3A_208 = arith.addf %add3A_196, %get3A_207 : vector<16xf32>
    %get3A_209 = arith.constant 64 : index
    %get3A_210 = tpu.vector_load %arg17[%get3A_209] {strides = array<i32>} : memref<768xf32, #tpu.memory_space<vmem>>, vector<16xf32>,
    %get3A_211 = vector.shape_cast %get3A_210 : vector<16xf32> to vector<16xf32>
    %add3A_212 = arith.addf %add3A_200, %get3A_211 : vector<16xf32>
    %get3A_213 = arith.constant 80 : index
    %get3A_214 = tpu.vector_load %arg17[%get3A_213] {strides = array<i32>} : memref<768xf32, #tpu.memory_space<vmem>>, vector<16xf32>,
    %get3A_215 = vector.shape_cast %get3A_214 : vector<16xf32> to vector<16xf32>
    %add3A_216 = arith.addf %add3A_204, %get3A_215 : vector<16xf32>
    %get3A_217 = arith.constant 96 : index
    %get3A_218 = tpu.vector_load %arg17[%get3A_217] {strides = array<i32>} : memref<768xf32, #tpu.memory_space<vmem>>, vector<16xf32>,
    %get3A_219 = vector.shape_cast %get3A_218 : vector<16xf32> to vector<16xf32>
    %add3A_220 = arith.addf %add3A_208, %get3A_219 : vector<16xf32>
    %get3A_221 = arith.constant 112 : index
    %get3A_222 = tpu.vector_load %arg17[%get3A_221] {strides = array<i32>} : memref<768xf32, #tpu.memory_space<vmem>>, vector<16xf32>,
    %get3A_223 = vector.shape_cast %get3A_222 : vector<16xf32> to vector<16xf32>
    %add3A_224 = arith.addf %add3A_212, %get3A_223 : vector<16xf32>
    %get3A_225 = arith.constant 128 : index
    %get3A_226 = tpu.vector_load %arg17[%get3A_225] {strides = array<i32>} : memref<768xf32, #tpu.memory_space<vmem>>, vector<16xf32>,
    %get3A_227 = vector.shape_cast %get3A_226 : vector<16xf32> to vector<16xf32>
    %add3A_228 = arith.addf %add3A_216, %get3A_227 : vector<16xf32>
    %get3A_229 = arith.constant 144 : index
    %get3A_230 = tpu.vector_load %arg17[%get3A_229] {strides = array<i32>} : memref<768xf32, #tpu.memory_space<vmem>>, vector<16xf32>,
    %get3A_231 = vector.shape_cast %get3A_230 : vector<16xf32> to vector<16xf32>
    %add3A_232 = arith.addf %add3A_220, %get3A_231 : vector<16xf32>
    %get3A_233 = arith.constant 160 : index
    %get3A_234 = tpu.vector_load %arg17[%get3A_233] {strides = array<i32>} : memref<768xf32, #tpu.memory_space<vmem>>, vector<16xf32>,
    %get3A_235 = vector.shape_cast %get3A_234 : vector<16xf32> to vector<16xf32>
    %add3A_236 = arith.addf %add3A_224, %get3A_235 : vector<16xf32>
    %get3A_237 = arith.constant 176 : index
    %get3A_238 = tpu.vector_load %arg17[%get3A_237] {strides = array<i32>} : memref<768xf32, #tpu.memory_space<vmem>>, vector<16xf32>,
    %get3A_239 = vector.shape_cast %get3A_238 : vector<16xf32> to vector<16xf32>
    %add3A_240 = arith.addf %add3A_228, %get3A_239 : vector<16xf32>
    %get3A_241 = arith.constant 192 : index
    %get3A_242 = tpu.vector_load %arg17[%get3A_241] {strides = array<i32>} : memref<768xf32, #tpu.memory_space<vmem>>, vector<16xf32>,
    %get3A_243 = vector.shape_cast %get3A_242 : vector<16xf32> to vector<16xf32>
    %add3A_244 = arith.addf %add3A_232, %get3A_243 : vector<16xf32>
    %get3A_245 = arith.constant 208 : index
    %get3A_246 = tpu.vector_load %arg17[%get3A_245] {strides = array<i32>} : memref<768xf32, #tpu.memory_space<vmem>>, vector<16xf32>,
    %get3A_247 = vector.shape_cast %get3A_246 : vector<16xf32> to vector<16xf32>
    %add3A_248 = arith.addf %add3A_236, %get3A_247 : vector<16xf32>
    %get3A_249 = arith.constant 224 : index
    %get3A_250 = tpu.vector_load %arg17[%get3A_249] {strides = array<i32>} : memref<768xf32, #tpu.memory_space<vmem>>, vector<16xf32>,
    %get3A_251 = vector.shape_cast %get3A_250 : vector<16xf32> to vector<16xf32>
    %add3A_252 = arith.addf %add3A_240, %get3A_251 : vector<16xf32>
    %get3A_253 = arith.constant 240 : index
    %get3A_254 = tpu.vector_load %arg17[%get3A_253] {strides = array<i32>} : memref<768xf32, #tpu.memory_space<vmem>>, vector<16xf32>,
    %get3A_255 = vector.shape_cast %get3A_254 : vector<16xf32> to vector<16xf32>
    %add3A_256 = arith.addf %add3A_244, %get3A_255 : vector<16xf32>
    %get3A_257 = arith.constant 256 : index
    %get3A_258 = tpu.vector_load %arg17[%get3A_257] {strides = array<i32>} : memref<768xf32, #tpu.memory_space<vmem>>, vector<16xf32>,
    %get3A_259 = vector.shape_cast %get3A_258 : vector<16xf32> to vector<16xf32>
    %add3A_260 = arith.addf %add3A_248, %get3A_259 : vector<16xf32>
    %get3A_261 = arith.constant 272 : index
    %get3A_262 = tpu.vector_load %arg17[%get3A_261] {strides = array<i32>} : memref<768xf32, #tpu.memory_space<vmem>>, vector<16xf32>,
    %get3A_263 = vector.shape_cast %get3A_262 : vector<16xf32> to vector<16xf32>
    %add3A_264 = arith.addf %add3A_252, %get3A_263 : vector<16xf32>
    %get3A_265 = arith.constant 288 : index
    %get3A_266 = tpu.vector_load %arg17[%get3A_265] {strides = array<i32>} : memref<768xf32, #tpu.memory_space<vmem>>, vector<16xf32>,
    %get3A_267 = vector.shape_cast %get3A_266 : vector<16xf32> to vector<16xf32>
    %add3A_268 = arith.addf %add3A_256, %get3A_267 : vector<16xf32>
    %get3A_269 = arith.constant 304 : index
    %get3A_270 = tpu.vector_load %arg17[%get3A_269] {strides = array<i32>} : memref<768xf32, #tpu.memory_space<vmem>>, vector<16xf32>,
    %get3A_271 = vector.shape_cast %get3A_270 : vector<16xf32> to vector<16xf32>
    %add3A_272 = arith.addf %add3A_260, %get3A_271 : vector<16xf32>
    %get3A_273 = arith.constant 320 : index
    %get3A_274 = tpu.vector_load %arg17[%get3A_273] {strides = array<i32>} : memref<768xf32, #tpu.memory_space<vmem>>, vector<16xf32>,
    %get3A_275 = vector.shape_cast %get3A_274 : vector<16xf32> to vector<16xf32>
    %add3A_276 = arith.addf %add3A_264, %get3A_275 : vector<16xf32>
    %get3A_277 = arith.constant 336 : index
    %get3A_278 = tpu.vector_load %arg17[%get3A_277] {strides = array<i32>} : memref<768xf32, #tpu.memory_space<vmem>>, vector<16xf32>,
    %get3A_279 = vector.shape_cast %get3A_278 : vector<16xf32> to vector<16xf32>
    %add3A_280 = arith.addf %add3A_268, %get3A_279 : vector<16xf32>
    %get3A_281 = arith.constant 352 : index
    %get3A_282 = tpu.vector_load %arg17[%get3A_281] {strides = array<i32>} : memref<768xf32, #tpu.memory_space<vmem>>, vector<16xf32>,
    %get3A_283 = vector.shape_cast %get3A_282 : vector<16xf32> to vector<16xf32>
    %add3A_284 = arith.addf %add3A_272, %get3A_283 : vector<16xf32>
    %get3A_285 = arith.constant 368 : index
    %get3A_286 = tpu.vector_load %arg17[%get3A_285] {strides = array<i32>} : memref<768xf32, #tpu.memory_space<vmem>>, vector<16xf32>,
    %get3A_287 = vector.shape_cast %get3A_286 : vector<16xf32> to vector<16xf32>
    %add3A_288 = arith.addf %add3A_276, %get3A_287 : vector<16xf32>
    %get3A_289 = arith.constant 384 : index
    %get3A_290 = tpu.vector_load %arg17[%get3A_289] {strides = array<i32>} : memref<768xf32, #tpu.memory_space<vmem>>, vector<16xf32>,
    %get3A_291 = vector.shape_cast %get3A_290 : vector<16xf32> to vector<16xf32>
    %add3A_292 = arith.addf %add3A_280, %get3A_291 : vector<16xf32>
    %get3A_293 = arith.constant 400 : index
    %get3A_294 = tpu.vector_load %arg17[%get3A_293] {strides = array<i32>} : memref<768xf32, #tpu.memory_space<vmem>>, vector<16xf32>,
    %get3A_295 = vector.shape_cast %get3A_294 : vector<16xf32> to vector<16xf32>
    %add3A_296 = arith.addf %add3A_284, %get3A_295 : vector<16xf32>
    %get3A_297 = arith.constant 416 : index
    %get3A_298 = tpu.vector_load %arg17[%get3A_297] {strides = array<i32>} : memref<768xf32, #tpu.memory_space<vmem>>, vector<16xf32>,
    %get3A_299 = vector.shape_cast %get3A_298 : vector<16xf32> to vector<16xf32>
    %add3A_300 = arith.addf %add3A_288, %get3A_299 : vector<16xf32>
    %get3A_301 = arith.constant 432 : index
    %get3A_302 = tpu.vector_load %arg17[%get3A_301] {strides = array<i32>} : memref<768xf32, #tpu.memory_space<vmem>>, vector<16xf32>,
    %get3A_303 = vector.shape_cast %get3A_302 : vector<16xf32> to vector<16xf32>
    %add3A_304 = arith.addf %add3A_292, %get3A_303 : vector<16xf32>
    %get3A_305 = arith.constant 448 : index
    %get3A_306 = tpu.vector_load %arg17[%get3A_305] {strides = array<i32>} : memref<768xf32, #tpu.memory_space<vmem>>, vector<16xf32>,
    %get3A_307 = vector.shape_cast %get3A_306 : vector<16xf32> to vector<16xf32>
    %add3A_308 = arith.addf %add3A_296, %get3A_307 : vector<16xf32>
    %get3A_309 = arith.constant 464 : index
    %get3A_310 = tpu.vector_load %arg17[%get3A_309] {strides = array<i32>} : memref<768xf32, #tpu.memory_space<vmem>>, vector<16xf32>,
    %get3A_311 = vector.shape_cast %get3A_310 : vector<16xf32> to vector<16xf32>
    %add3A_312 = arith.addf %add3A_300, %get3A_311 : vector<16xf32>
    %get3A_313 = arith.constant 480 : index
    %get3A_314 = tpu.vector_load %arg17[%get3A_313] {strides = array<i32>} : memref<768xf32, #tpu.memory_space<vmem>>, vector<16xf32>,
    %get3A_315 = vector.shape_cast %get3A_314 : vector<16xf32> to vector<16xf32>
    %add3A_316 = arith.addf %add3A_304, %get3A_315 : vector<16xf32>
    %get3A_317 = arith.constant 496 : index
    %get3A_318 = tpu.vector_load %arg17[%get3A_317] {strides = array<i32>} : memref<768xf32, #tpu.memory_space<vmem>>, vector<16xf32>,
    %get3A_319 = vector.shape_cast %get3A_318 : vector<16xf32> to vector<16xf32>
    %add3A_320 = arith.addf %add3A_308, %get3A_319 : vector<16xf32>
    %get3A_321 = arith.constant 512 : index
    %get3A_322 = tpu.vector_load %arg17[%get3A_321] {strides = array<i32>} : memref<768xf32, #tpu.memory_space<vmem>>, vector<16xf32>,
    %get3A_323 = vector.shape_cast %get3A_322 : vector<16xf32> to vector<16xf32>
    %add3A_324 = arith.addf %add3A_312, %get3A_323 : vector<16xf32>
    %get3A_325 = arith.constant 528 : index
    %get3A_326 = tpu.vector_load %arg17[%get3A_325] {strides = array<i32>} : memref<768xf32, #tpu.memory_space<vmem>>, vector<16xf32>,
    %get3A_327 = vector.shape_cast %get3A_326 : vector<16xf32> to vector<16xf32>
    %add3A_328 = arith.addf %add3A_316, %get3A_327 : vector<16xf32>
    %get3A_329 = arith.constant 544 : index
    %get3A_330 = tpu.vector_load %arg17[%get3A_329] {strides = array<i32>} : memref<768xf32, #tpu.memory_space<vmem>>, vector<16xf32>,
    %get3A_331 = vector.shape_cast %get3A_330 : vector<16xf32> to vector<16xf32>
    %add3A_332 = arith.addf %add3A_320, %get3A_331 : vector<16xf32>
    %get3A_333 = arith.constant 560 : index
    %get3A_334 = tpu.vector_load %arg17[%get3A_333] {strides = array<i32>} : memref<768xf32, #tpu.memory_space<vmem>>, vector<16xf32>,
    %get3A_335 = vector.shape_cast %get3A_334 : vector<16xf32> to vector<16xf32>
    %add3A_336 = arith.addf %add3A_324, %get3A_335 : vector<16xf32>
    %get3A_337 = arith.constant 576 : index
    %get3A_338 = tpu.vector_load %arg17[%get3A_337] {strides = array<i32>} : memref<768xf32, #tpu.memory_space<vmem>>, vector<16xf32>,
    %get3A_339 = vector.shape_cast %get3A_338 : vector<16xf32> to vector<16xf32>
    %add3A_340 = arith.addf %add3A_328, %get3A_339 : vector<16xf32>
    %get3A_341 = arith.constant 592 : index
    %get3A_342 = tpu.vector_load %arg17[%get3A_341] {strides = array<i32>} : memref<768xf32, #tpu.memory_space<vmem>>, vector<16xf32>,
    %get3A_343 = vector.shape_cast %get3A_342 : vector<16xf32> to vector<16xf32>
    %add3A_344 = arith.addf %add3A_332, %get3A_343 : vector<16xf32>
    %get3A_345 = arith.constant 608 : index
    %get3A_346 = tpu.vector_load %arg17[%get3A_345] {strides = array<i32>} : memref<768xf32, #tpu.memory_space<vmem>>, vector<16xf32>,
    %get3A_347 = vector.shape_cast %get3A_346 : vector<16xf32> to vector<16xf32>
    %add3A_348 = arith.addf %add3A_336, %get3A_347 : vector<16xf32>
    %get3A_349 = arith.constant 624 : index
    %get3A_350 = tpu.vector_load %arg17[%get3A_349] {strides = array<i32>} : memref<768xf32, #tpu.memory_space<vmem>>, vector<16xf32>,
    %get3A_351 = vector.shape_cast %get3A_350 : vector<16xf32> to vector<16xf32>
    %add3A_352 = arith.addf %add3A_340, %get3A_351 : vector<16xf32>
    %get3A_353 = arith.constant 640 : index
    %get3A_354 = tpu.vector_load %arg17[%get3A_353] {strides = array<i32>} : memref<768xf32, #tpu.memory_space<vmem>>, vector<16xf32>,
    %get3A_355 = vector.shape_cast %get3A_354 : vector<16xf32> to vector<16xf32>
    %add3A_356 = arith.addf %add3A_344, %get3A_355 : vector<16xf32>
    %get3A_357 = arith.constant 656 : index
    %get3A_358 = tpu.vector_load %arg17[%get3A_357] {strides = array<i32>} : memref<768xf32, #tpu.memory_space<vmem>>, vector<16xf32>,
    %get3A_359 = vector.shape_cast %get3A_358 : vector<16xf32> to vector<16xf32>
    %add3A_360 = arith.addf %add3A_348, %get3A_359 : vector<16xf32>
    %get3A_361 = arith.constant 672 : index
    %get3A_362 = tpu.vector_load %arg17[%get3A_361] {strides = array<i32>} : memref<768xf32, #tpu.memory_space<vmem>>, vector<16xf32>,
    %get3A_363 = vector.shape_cast %get3A_362 : vector<16xf32> to vector<16xf32>
    %add3A_364 = arith.addf %add3A_352, %get3A_363 : vector<16xf32>
    %get3A_365 = arith.constant 688 : index
    %get3A_366 = tpu.vector_load %arg17[%get3A_365] {strides = array<i32>} : memref<768xf32, #tpu.memory_space<vmem>>, vector<16xf32>,
    %get3A_367 = vector.shape_cast %get3A_366 : vector<16xf32> to vector<16xf32>
    %add3A_368 = arith.addf %add3A_356, %get3A_367 : vector<16xf32>
    %get3A_369 = arith.constant 704 : index
    %get3A_370 = tpu.vector_load %arg17[%get3A_369] {strides = array<i32>} : memref<768xf32, #tpu.memory_space<vmem>>, vector<16xf32>,
    %get3A_371 = vector.shape_cast %get3A_370 : vector<16xf32> to vector<16xf32>
    %add3A_372 = arith.addf %add3A_360, %get3A_371 : vector<16xf32>
    %get3A_373 = arith.constant 720 : index
    %get3A_374 = tpu.vector_load %arg17[%get3A_373] {strides = array<i32>} : memref<768xf32, #tpu.memory_space<vmem>>, vector<16xf32>,
    %get3A_375 = vector.shape_cast %get3A_374 : vector<16xf32> to vector<16xf32>
    %add3A_376 = arith.addf %add3A_364, %get3A_375 : vector<16xf32>
    %get3A_377 = arith.constant 736 : index
    %get3A_378 = tpu.vector_load %arg17[%get3A_377] {strides = array<i32>} : memref<768xf32, #tpu.memory_space<vmem>>, vector<16xf32>,
    %get3A_379 = vector.shape_cast %get3A_378 : vector<16xf32> to vector<16xf32>
    %add3A_380 = arith.addf %add3A_368, %get3A_379 : vector<16xf32>
    %get3A_381 = arith.constant 752 : index
    %get3A_382 = tpu.vector_load %arg17[%get3A_381] {strides = array<i32>} : memref<768xf32, #tpu.memory_space<vmem>>, vector<16xf32>,
    %get3A_383 = vector.shape_cast %get3A_382 : vector<16xf32> to vector<16xf32>
    %add3A_384 = arith.addf %add3A_372, %get3A_383 : vector<16xf32>
    %slice3A_385 = vector.extract_strided_slice %add3A_376 {offsets = [0], sizes = [1], strides = [1]} : vector<16xf32> to vector<1xf32>
    %squeeze3A_386 = vector.extract %slice3A_385[0] : f32 from vector<1xf32>
    %slice3A_387 = vector.extract_strided_slice %add3A_380 {offsets = [0], sizes = [1], strides = [1]} : vector<16xf32> to vector<1xf32>
    %squeeze3A_388 = vector.extract %slice3A_387[0] : f32 from vector<1xf32>
    %slice3A_389 = vector.extract_strided_slice %add3A_384 {offsets = [0], sizes = [1], strides = [1]} : vector<16xf32> to vector<1xf32>
    %squeeze3A_390 = vector.extract %slice3A_389[0] : f32 from vector<1xf32>
    %slice3A_391 = vector.extract_strided_slice %add3A_376 {offsets = [1], sizes = [1], strides = [1]} : vector<16xf32> to vector<1xf32>
    %squeeze3A_392 = vector.extract %slice3A_391[0] : f32 from vector<1xf32>
    %add3A_393 = arith.addf %squeeze3A_386, %squeeze3A_392 : f32
    %slice3A_394 = vector.extract_strided_slice %add3A_380 {offsets = [1], sizes = [1], strides = [1]} : vector<16xf32> to vector<1xf32>
    %squeeze3A_395 = vector.extract %slice3A_394[0] : f32 from vector<1xf32>
    %add3A_396 = arith.addf %squeeze3A_388, %squeeze3A_395 : f32
    %slice3A_397 = vector.extract_strided_slice %add3A_384 {offsets = [1], sizes = [1], strides = [1]} : vector<16xf32> to vector<1xf32>
    %squeeze3A_398 = vector.extract %slice3A_397[0] : f32 from vector<1xf32>
    %add3A_399 = arith.addf %squeeze3A_390, %squeeze3A_398 : f32
    %slice3A_400 = vector.extract_strided_slice %add3A_376 {offsets = [2], sizes = [1], strides = [1]} : vector<16xf32> to vector<1xf32>
    %squeeze3A_401 = vector.extract %slice3A_400[0] : f32 from vector<1xf32>
    %add3A_402 = arith.addf %add3A_393, %squeeze3A_401 : f32
    %slice3A_403 = vector.extract_strided_slice %add3A_380 {offsets = [2], sizes = [1], strides = [1]} : vector<16xf32> to vector<1xf32>
    %squeeze3A_404 = vector.extract %slice3A_403[0] : f32 from vector<1xf32>
    %add3A_405 = arith.addf %add3A_396, %squeeze3A_404 : f32
    %slice3A_406 = vector.extract_strided_slice %add3A_384 {offsets = [2], sizes = [1], strides = [1]} : vector<16xf32> to vector<1xf32>
    %squeeze3A_407 = vector.extract %slice3A_406[0] : f32 from vector<1xf32>
    %add3A_408 = arith.addf %add3A_399, %squeeze3A_407 : f32
    %slice3A_409 = vector.extract_strided_slice %add3A_376 {offsets = [3], sizes = [1], strides = [1]} : vector<16xf32> to vector<1xf32>
    %squeeze3A_410 = vector.extract %slice3A_409[0] : f32 from vector<1xf32>
    %add3A_411 = arith.addf %add3A_402, %squeeze3A_410 : f32
    %slice3A_412 = vector.extract_strided_slice %add3A_380 {offsets = [3], sizes = [1], strides = [1]} : vector<16xf32> to vector<1xf32>
    %squeeze3A_413 = vector.extract %slice3A_412[0] : f32 from vector<1xf32>
    %add3A_414 = arith.addf %add3A_405, %squeeze3A_413 : f32
    %slice3A_415 = vector.extract_strided_slice %add3A_384 {offsets = [3], sizes = [1], strides = [1]} : vector<16xf32> to vector<1xf32>
    %squeeze3A_416 = vector.extract %slice3A_415[0] : f32 from vector<1xf32>
    %add3A_417 = arith.addf %add3A_408, %squeeze3A_416 : f32
    %slice3A_418 = vector.extract_strided_slice %add3A_376 {offsets = [4], sizes = [1], strides = [1]} : vector<16xf32> to vector<1xf32>
    %squeeze3A_419 = vector.extract %slice3A_418[0] : f32 from vector<1xf32>
    %add3A_420 = arith.addf %add3A_411, %squeeze3A_419 : f32
    %slice3A_421 = vector.extract_strided_slice %add3A_380 {offsets = [4], sizes = [1], strides = [1]} : vector<16xf32> to vector<1xf32>
    %squeeze3A_422 = vector.extract %slice3A_421[0] : f32 from vector<1xf32>
    %add3A_423 = arith.addf %add3A_414, %squeeze3A_422 : f32
    %slice3A_424 = vector.extract_strided_slice %add3A_384 {offsets = [4], sizes = [1], strides = [1]} : vector<16xf32> to vector<1xf32>
    %squeeze3A_425 = vector.extract %slice3A_424[0] : f32 from vector<1xf32>
    %add3A_426 = arith.addf %add3A_417, %squeeze3A_425 : f32
    %slice3A_427 = vector.extract_strided_slice %add3A_376 {offsets = [5], sizes = [1], strides = [1]} : vector<16xf32> to vector<1xf32>
    %squeeze3A_428 = vector.extract %slice3A_427[0] : f32 from vector<1xf32>
    %add3A_429 = arith.addf %add3A_420, %squeeze3A_428 : f32
    %slice3A_430 = vector.extract_strided_slice %add3A_380 {offsets = [5], sizes = [1], strides = [1]} : vector<16xf32> to vector<1xf32>
    %squeeze3A_431 = vector.extract %slice3A_430[0] : f32 from vector<1xf32>
    %add3A_432 = arith.addf %add3A_423, %squeeze3A_431 : f32
    %slice3A_433 = vector.extract_strided_slice %add3A_384 {offsets = [5], sizes = [1], strides = [1]} : vector<16xf32> to vector<1xf32>
    %squeeze3A_434 = vector.extract %slice3A_433[0] : f32 from vector<1xf32>
    %add3A_435 = arith.addf %add3A_426, %squeeze3A_434 : f32
    %slice3A_436 = vector.extract_strided_slice %add3A_376 {offsets = [6], sizes = [1], strides = [1]} : vector<16xf32> to vector<1xf32>
    %squeeze3A_437 = vector.extract %slice3A_436[0] : f32 from vector<1xf32>
    %add3A_438 = arith.addf %add3A_429, %squeeze3A_437 : f32
    %slice3A_439 = vector.extract_strided_slice %add3A_380 {offsets = [6], sizes = [1], strides = [1]} : vector<16xf32> to vector<1xf32>
    %squeeze3A_440 = vector.extract %slice3A_439[0] : f32 from vector<1xf32>
    %add3A_441 = arith.addf %add3A_432, %squeeze3A_440 : f32
    %slice3A_442 = vector.extract_strided_slice %add3A_384 {offsets = [6], sizes = [1], strides = [1]} : vector<16xf32> to vector<1xf32>
    %squeeze3A_443 = vector.extract %slice3A_442[0] : f32 from vector<1xf32>
    %add3A_444 = arith.addf %add3A_435, %squeeze3A_443 : f32
    %slice3A_445 = vector.extract_strided_slice %add3A_376 {offsets = [7], sizes = [1], strides = [1]} : vector<16xf32> to vector<1xf32>
    %squeeze3A_446 = vector.extract %slice3A_445[0] : f32 from vector<1xf32>
    %add3A_447 = arith.addf %add3A_438, %squeeze3A_446 : f32
    %slice3A_448 = vector.extract_strided_slice %add3A_380 {offsets = [7], sizes = [1], strides = [1]} : vector<16xf32> to vector<1xf32>
    %squeeze3A_449 = vector.extract %slice3A_448[0] : f32 from vector<1xf32>
    %add3A_450 = arith.addf %add3A_441, %squeeze3A_449 : f32
    %slice3A_451 = vector.extract_strided_slice %add3A_384 {offsets = [7], sizes = [1], strides = [1]} : vector<16xf32> to vector<1xf32>
    %squeeze3A_452 = vector.extract %slice3A_451[0] : f32 from vector<1xf32>
    %add3A_453 = arith.addf %add3A_444, %squeeze3A_452 : f32
    %slice3A_454 = vector.extract_strided_slice %add3A_376 {offsets = [8], sizes = [1], strides = [1]} : vector<16xf32> to vector<1xf32>
    %squeeze3A_455 = vector.extract %slice3A_454[0] : f32 from vector<1xf32>
    %add3A_456 = arith.addf %add3A_447, %squeeze3A_455 : f32
    %slice3A_457 = vector.extract_strided_slice %add3A_380 {offsets = [8], sizes = [1], strides = [1]} : vector<16xf32> to vector<1xf32>
    %squeeze3A_458 = vector.extract %slice3A_457[0] : f32 from vector<1xf32>
    %add3A_459 = arith.addf %add3A_450, %squeeze3A_458 : f32
    %slice3A_460 = vector.extract_strided_slice %add3A_384 {offsets = [8], sizes = [1], strides = [1]} : vector<16xf32> to vector<1xf32>
    %squeeze3A_461 = vector.extract %slice3A_460[0] : f32 from vector<1xf32>
    %add3A_462 = arith.addf %add3A_453, %squeeze3A_461 : f32
    %slice3A_463 = vector.extract_strided_slice %add3A_376 {offsets = [9], sizes = [1], strides = [1]} : vector<16xf32> to vector<1xf32>
    %squeeze3A_464 = vector.extract %slice3A_463[0] : f32 from vector<1xf32>
    %add3A_465 = arith.addf %add3A_456, %squeeze3A_464 : f32
    %slice3A_466 = vector.extract_strided_slice %add3A_380 {offsets = [9], sizes = [1], strides = [1]} : vector<16xf32> to vector<1xf32>
    %squeeze3A_467 = vector.extract %slice3A_466[0] : f32 from vector<1xf32>
    %add3A_468 = arith.addf %add3A_459, %squeeze3A_467 : f32
    %slice3A_469 = vector.extract_strided_slice %add3A_384 {offsets = [9], sizes = [1], strides = [1]} : vector<16xf32> to vector<1xf32>
    %squeeze3A_470 = vector.extract %slice3A_469[0] : f32 from vector<1xf32>
    %add3A_471 = arith.addf %add3A_462, %squeeze3A_470 : f32
    %slice3A_472 = vector.extract_strided_slice %add3A_376 {offsets = [10], sizes = [1], strides = [1]} : vector<16xf32> to vector<1xf32>
    %squeeze3A_473 = vector.extract %slice3A_472[0] : f32 from vector<1xf32>
    %add3A_474 = arith.addf %add3A_465, %squeeze3A_473 : f32
    %slice3A_475 = vector.extract_strided_slice %add3A_380 {offsets = [10], sizes = [1], strides = [1]} : vector<16xf32> to vector<1xf32>
    %squeeze3A_476 = vector.extract %slice3A_475[0] : f32 from vector<1xf32>
    %add3A_477 = arith.addf %add3A_468, %squeeze3A_476 : f32
    %slice3A_478 = vector.extract_strided_slice %add3A_384 {offsets = [10], sizes = [1], strides = [1]} : vector<16xf32> to vector<1xf32>
    %squeeze3A_479 = vector.extract %slice3A_478[0] : f32 from vector<1xf32>
    %add3A_480 = arith.addf %add3A_471, %squeeze3A_479 : f32
    %slice3A_481 = vector.extract_strided_slice %add3A_376 {offsets = [11], sizes = [1], strides = [1]} : vector<16xf32> to vector<1xf32>
    %squeeze3A_482 = vector.extract %slice3A_481[0] : f32 from vector<1xf32>
    %add3A_483 = arith.addf %add3A_474, %squeeze3A_482 : f32
    %slice3A_484 = vector.extract_strided_slice %add3A_380 {offsets = [11], sizes = [1], strides = [1]} : vector<16xf32> to vector<1xf32>
    %squeeze3A_485 = vector.extract %slice3A_484[0] : f32 from vector<1xf32>
    %add3A_486 = arith.addf %add3A_477, %squeeze3A_485 : f32
    %slice3A_487 = vector.extract_strided_slice %add3A_384 {offsets = [11], sizes = [1], strides = [1]} : vector<16xf32> to vector<1xf32>
    %squeeze3A_488 = vector.extract %slice3A_487[0] : f32 from vector<1xf32>
    %add3A_489 = arith.addf %add3A_480, %squeeze3A_488 : f32
    %slice3A_490 = vector.extract_strided_slice %add3A_376 {offsets = [12], sizes = [1], strides = [1]} : vector<16xf32> to vector<1xf32>
    %squeeze3A_491 = vector.extract %slice3A_490[0] : f32 from vector<1xf32>
    %add3A_492 = arith.addf %add3A_483, %squeeze3A_491 : f32
    %slice3A_493 = vector.extract_strided_slice %add3A_380 {offsets = [12], sizes = [1], strides = [1]} : vector<16xf32> to vector<1xf32>
    %squeeze3A_494 = vector.extract %slice3A_493[0] : f32 from vector<1xf32>
    %add3A_495 = arith.addf %add3A_486, %squeeze3A_494 : f32
    %slice3A_496 = vector.extract_strided_slice %add3A_384 {offsets = [12], sizes = [1], strides = [1]} : vector<16xf32> to vector<1xf32>
    %squeeze3A_497 = vector.extract %slice3A_496[0] : f32 from vector<1xf32>
    %add3A_498 = arith.addf %add3A_489, %squeeze3A_497 : f32
    %slice3A_499 = vector.extract_strided_slice %add3A_376 {offsets = [13], sizes = [1], strides = [1]} : vector<16xf32> to vector<1xf32>
    %squeeze3A_500 = vector.extract %slice3A_499[0] : f32 from vector<1xf32>
    %add3A_501 = arith.addf %add3A_492, %squeeze3A_500 : f32
    %slice3A_502 = vector.extract_strided_slice %add3A_380 {offsets = [13], sizes = [1], strides = [1]} : vector<16xf32> to vector<1xf32>
    %squeeze3A_503 = vector.extract %slice3A_502[0] : f32 from vector<1xf32>
    %add3A_504 = arith.addf %add3A_495, %squeeze3A_503 : f32
    %slice3A_505 = vector.extract_strided_slice %add3A_384 {offsets = [13], sizes = [1], strides = [1]} : vector<16xf32> to vector<1xf32>
    %squeeze3A_506 = vector.extract %slice3A_505[0] : f32 from vector<1xf32>
    %add3A_507 = arith.addf %add3A_498, %squeeze3A_506 : f32
    %slice3A_508 = vector.extract_strided_slice %add3A_376 {offsets = [14], sizes = [1], strides = [1]} : vector<16xf32> to vector<1xf32>
    %squeeze3A_509 = vector.extract %slice3A_508[0] : f32 from vector<1xf32>
    %add3A_510 = arith.addf %add3A_501, %squeeze3A_509 : f32
    %slice3A_511 = vector.extract_strided_slice %add3A_380 {offsets = [14], sizes = [1], strides = [1]} : vector<16xf32> to vector<1xf32>
    %squeeze3A_512 = vector.extract %slice3A_511[0] : f32 from vector<1xf32>
    %add3A_513 = arith.addf %add3A_504, %squeeze3A_512 : f32
    %slice3A_514 = vector.extract_strided_slice %add3A_384 {offsets = [14], sizes = [1], strides = [1]} : vector<16xf32> to vector<1xf32>
    %squeeze3A_515 = vector.extract %slice3A_514[0] : f32 from vector<1xf32>
    %add3A_516 = arith.addf %add3A_507, %squeeze3A_515 : f32
    %slice3A_517 = vector.extract_strided_slice %add3A_376 {offsets = [15], sizes = [1], strides = [1]} : vector<16xf32> to vector<1xf32>
    %squeeze3A_518 = vector.extract %slice3A_517[0] : f32 from vector<1xf32>
    %add3A_519 = arith.addf %add3A_510, %squeeze3A_518 : f32
    %slice3A_520 = vector.extract_strided_slice %add3A_380 {offsets = [15], sizes = [1], strides = [1]} : vector<16xf32> to vector<1xf32>
    %squeeze3A_521 = vector.extract %slice3A_520[0] : f32 from vector<1xf32>
    %add3A_522 = arith.addf %add3A_513, %squeeze3A_521 : f32
    %slice3A_523 = vector.extract_strided_slice %add3A_384 {offsets = [15], sizes = [1], strides = [1]} : vector<16xf32> to vector<1xf32>
    %squeeze3A_524 = vector.extract %slice3A_523[0] : f32 from vector<1xf32>
    %add3A_525 = arith.addf %add3A_516, %squeeze3A_524 : f32
    %get3A_526 = arith.constant 0 : index
    %get3A_527 = tpu.vector_load %arg9[%get3A_526] {strides = array<i32>} : memref<16xf32, #tpu.memory_space<vmem>>, vector<16xf32>,
    %get3A_528 = vector.shape_cast %get3A_527 : vector<16xf32> to vector<16xf32>
    %slice3A_529 = vector.extract_strided_slice %get3A_528 {offsets = [0], sizes = [1], strides = [1]} : vector<16xf32> to vector<1xf32>
    %squeeze3A_530 = vector.extract %slice3A_529[0] : f32 from vector<1xf32>
    %broadcast_in_dim3A_531 = vector.broadcast %squeeze3A_530 : f32 to vector<16xf32>
    %broadcast_in_dim3A_532 = vector.broadcast %add3A_519 : f32 to vector<16xf32>
    %div3A = arith.divf %broadcast_in_dim3A_531, %broadcast_in_dim3A_532 : vector<16xf32>
    %slice3A_533 = vector.extract_strided_slice %get3A_528 {offsets = [1], sizes = [1], strides = [1]} : vector<16xf32> to vector<1xf32>
    %squeeze3A_534 = vector.extract %slice3A_533[0] : f32 from vector<1xf32>
    %broadcast_in_dim3A_535 = vector.broadcast %squeeze3A_534 : f32 to vector<16xf32>
    %broadcast_in_dim3A_536 = vector.broadcast %add3A_522 : f32 to vector<16xf32>
    %div3A_537 = arith.divf %broadcast_in_dim3A_535, %broadcast_in_dim3A_536 : vector<16xf32>
    %slice3A_538 = vector.extract_strided_slice %get3A_528 {offsets = [2], sizes = [1], strides = [1]} : vector<16xf32> to vector<1xf32>
    %squeeze3A_539 = vector.extract %slice3A_538[0] : f32 from vector<1xf32>
    %broadcast_in_dim3A_540 = vector.broadcast %squeeze3A_539 : f32 to vector<16xf32>
    %broadcast_in_dim3A_541 = vector.broadcast %add3A_525 : f32 to vector<16xf32>
    %div3A_542 = arith.divf %broadcast_in_dim3A_540, %broadcast_in_dim3A_541 : vector<16xf32>
    %eq3A_543 = arith.constant 0 : i32
    %eq3A_544 = arith.cmpi eq, %arg0, %eq3A_543 : i32
    %convert_element_type3A_545 = arith.extui %eq3A_544 : i1 to i32
    %cond3A_546 = arith.constant 0 : i32
    %cond3A_547 = arith.cmpi ne, %convert_element_type3A_545, %cond3A_546 : i32
    scf.if %cond3A_547 {
      %scan3A_566 = arith.constant 0 : i32
      %scan3A_567 = arith.constant 0 : i32
      %scan3A_568 = arith.constant 196 : i32
      %scan3A_569 = arith.addi %scan3A_567, %scan3A_568 : i32
      %scan3A_570 = arith.constant 4 : i32
      scf.for %scan3A_572 = %scan3A_567 to %scan3A_569 step %scan3A_570  : i32 {
        %mul3A_573 = arith.constant 16 : i32
        %mul3A_574 = arith.muli %scan3A_572, %mul3A_573 : i32
        %get3A_575 = arith.index_cast %mul3A_574 : i32 to index
        %get3A_576 = tpu.vector_load %arg12[%get3A_575] {strides = array<i32>} : memref<6256xf32, #tpu.memory_space<vmem>>, vector<16xf32>,
        %get3A_577 = vector.shape_cast %get3A_576 : vector<16xf32> to vector<16xf32>
        %mul3A_578 = arith.mulf %get3A_577, %div3A : vector<16xf32>
        %get3A_579 = arith.index_cast %mul3A_574 : i32 to index
        %get3A_580 = tpu.vector_load %arg13[%get3A_579] {strides = array<i32>} : memref<6256xf32, #tpu.memory_space<vmem>>, vector<16xf32>,
        %get3A_581 = vector.shape_cast %get3A_580 : vector<16xf32> to vector<16xf32>
        %mul3A_582 = arith.mulf %get3A_581, %div3A_537 : vector<16xf32>
        %add3A_583 = arith.addf %mul3A_578, %mul3A_582 : vector<16xf32>
        %get3A_584 = arith.index_cast %mul3A_574 : i32 to index
        %get3A_585 = tpu.vector_load %arg14[%get3A_584] {strides = array<i32>} : memref<6256xf32, #tpu.memory_space<vmem>>, vector<16xf32>,
        %get3A_586 = vector.shape_cast %get3A_585 : vector<16xf32> to vector<16xf32>
        %mul3A_587 = arith.mulf %get3A_586, %div3A_542 : vector<16xf32>
        %add3A_588 = arith.addf %add3A_583, %mul3A_587 : vector<16xf32>
        %swap3A_589 = arith.index_cast %mul3A_574 : i32 to index
        %swap3A_590 = tpu.vector_load %arg15[%swap3A_589] {strides = array<i32>} : memref<6256xf32, #tpu.memory_space<vmem>>, vector<16xf32>,
        %swap3A_591 = vector.shape_cast %swap3A_590 : vector<16xf32> to vector<16xf32>
        %swap3A_592 = vector.shape_cast %add3A_588 : vector<16xf32> to vector<16xf32>
        tpu.vector_store %arg15[%swap3A_589], %swap3A_592 {strides = array<i32>} : memref<6256xf32, #tpu.memory_space<vmem>>, vector<16xf32>,
        %scan3A_593 = arith.constant 1 : i32
        %scan3A_594 = arith.addi %scan3A_572, %scan3A_593 : i32
        %mul3A_595 = arith.constant 16 : i32
        %mul3A_596 = arith.muli %scan3A_594, %mul3A_595 : i32
        %get3A_597 = arith.index_cast %mul3A_596 : i32 to index
        %get3A_598 = tpu.vector_load %arg12[%get3A_597] {strides = array<i32>} : memref<6256xf32, #tpu.memory_space<vmem>>, vector<16xf32>,
        %get3A_599 = vector.shape_cast %get3A_598 : vector<16xf32> to vector<16xf32>
        %mul3A_600 = arith.mulf %get3A_599, %div3A : vector<16xf32>
        %get3A_601 = arith.index_cast %mul3A_596 : i32 to index
        %get3A_602 = tpu.vector_load %arg13[%get3A_601] {strides = array<i32>} : memref<6256xf32, #tpu.memory_space<vmem>>, vector<16xf32>,
        %get3A_603 = vector.shape_cast %get3A_602 : vector<16xf32> to vector<16xf32>
        %mul3A_604 = arith.mulf %get3A_603, %div3A_537 : vector<16xf32>
        %add3A_605 = arith.addf %mul3A_600, %mul3A_604 : vector<16xf32>
        %get3A_606 = arith.index_cast %mul3A_596 : i32 to index
        %get3A_607 = tpu.vector_load %arg14[%get3A_606] {strides = array<i32>} : memref<6256xf32, #tpu.memory_space<vmem>>, vector<16xf32>,
        %get3A_608 = vector.shape_cast %get3A_607 : vector<16xf32> to vector<16xf32>
        %mul3A_609 = arith.mulf %get3A_608, %div3A_542 : vector<16xf32>
        %add3A_610 = arith.addf %add3A_605, %mul3A_609 : vector<16xf32>
        %swap3A_611 = arith.index_cast %mul3A_596 : i32 to index
        %swap3A_612 = tpu.vector_load %arg15[%swap3A_611] {strides = array<i32>} : memref<6256xf32, #tpu.memory_space<vmem>>, vector<16xf32>,
        %swap3A_613 = vector.shape_cast %swap3A_612 : vector<16xf32> to vector<16xf32>
        %swap3A_614 = vector.shape_cast %add3A_610 : vector<16xf32> to vector<16xf32>
        tpu.vector_store %arg15[%swap3A_611], %swap3A_614 {strides = array<i32>} : memref<6256xf32, #tpu.memory_space<vmem>>, vector<16xf32>,
        %scan3A_615 = arith.constant 2 : i32
        %scan3A_616 = arith.addi %scan3A_572, %scan3A_615 : i32
        %mul3A_617 = arith.constant 16 : i32
        %mul3A_618 = arith.muli %scan3A_616, %mul3A_617 : i32
        %get3A_619 = arith.index_cast %mul3A_618 : i32 to index
        %get3A_620 = tpu.vector_load %arg12[%get3A_619] {strides = array<i32>} : memref<6256xf32, #tpu.memory_space<vmem>>, vector<16xf32>,
        %get3A_621 = vector.shape_cast %get3A_620 : vector<16xf32> to vector<16xf32>
        %mul3A_622 = arith.mulf %get3A_621, %div3A : vector<16xf32>
        %get3A_623 = arith.index_cast %mul3A_618 : i32 to index
        %get3A_624 = tpu.vector_load %arg13[%get3A_623] {strides = array<i32>} : memref<6256xf32, #tpu.memory_space<vmem>>, vector<16xf32>,
        %get3A_625 = vector.shape_cast %get3A_624 : vector<16xf32> to vector<16xf32>
        %mul3A_626 = arith.mulf %get3A_625, %div3A_537 : vector<16xf32>
        %add3A_627 = arith.addf %mul3A_622, %mul3A_626 : vector<16xf32>
        %get3A_628 = arith.index_cast %mul3A_618 : i32 to index
        %get3A_629 = tpu.vector_load %arg14[%get3A_628] {strides = array<i32>} : memref<6256xf32, #tpu.memory_space<vmem>>, vector<16xf32>,
        %get3A_630 = vector.shape_cast %get3A_629 : vector<16xf32> to vector<16xf32>
        %mul3A_631 = arith.mulf %get3A_630, %div3A_542 : vector<16xf32>
        %add3A_632 = arith.addf %add3A_627, %mul3A_631 : vector<16xf32>
        %swap3A_633 = arith.index_cast %mul3A_618 : i32 to index
        %swap3A_634 = tpu.vector_load %arg15[%swap3A_633] {strides = array<i32>} : memref<6256xf32, #tpu.memory_space<vmem>>, vector<16xf32>,
        %swap3A_635 = vector.shape_cast %swap3A_634 : vector<16xf32> to vector<16xf32>
        %swap3A_636 = vector.shape_cast %add3A_632 : vector<16xf32> to vector<16xf32>
        tpu.vector_store %arg15[%swap3A_633], %swap3A_636 {strides = array<i32>} : memref<6256xf32, #tpu.memory_space<vmem>>, vector<16xf32>,
        %scan3A_637 = arith.constant 3 : i32
        %scan3A_638 = arith.addi %scan3A_572, %scan3A_637 : i32
        %mul3A_639 = arith.constant 16 : i32
        %mul3A_640 = arith.muli %scan3A_638, %mul3A_639 : i32
        %get3A_641 = arith.index_cast %mul3A_640 : i32 to index
        %get3A_642 = tpu.vector_load %arg12[%get3A_641] {strides = array<i32>} : memref<6256xf32, #tpu.memory_space<vmem>>, vector<16xf32>,
        %get3A_643 = vector.shape_cast %get3A_642 : vector<16xf32> to vector<16xf32>
        %mul3A_644 = arith.mulf %get3A_643, %div3A : vector<16xf32>
        %get3A_645 = arith.index_cast %mul3A_640 : i32 to index
        %get3A_646 = tpu.vector_load %arg13[%get3A_645] {strides = array<i32>} : memref<6256xf32, #tpu.memory_space<vmem>>, vector<16xf32>,
        %get3A_647 = vector.shape_cast %get3A_646 : vector<16xf32> to vector<16xf32>
        %mul3A_648 = arith.mulf %get3A_647, %div3A_537 : vector<16xf32>
        %add3A_649 = arith.addf %mul3A_644, %mul3A_648 : vector<16xf32>
        %get3A_650 = arith.index_cast %mul3A_640 : i32 to index
        %get3A_651 = tpu.vector_load %arg14[%get3A_650] {strides = array<i32>} : memref<6256xf32, #tpu.memory_space<vmem>>, vector<16xf32>,
        %get3A_652 = vector.shape_cast %get3A_651 : vector<16xf32> to vector<16xf32>
        %mul3A_653 = arith.mulf %get3A_652, %div3A_542 : vector<16xf32>
        %add3A_654 = arith.addf %add3A_649, %mul3A_653 : vector<16xf32>
        %swap3A_655 = arith.index_cast %mul3A_640 : i32 to index
        %swap3A_656 = tpu.vector_load %arg15[%swap3A_655] {strides = array<i32>} : memref<6256xf32, #tpu.memory_space<vmem>>, vector<16xf32>,
        %swap3A_657 = vector.shape_cast %swap3A_656 : vector<16xf32> to vector<16xf32>
        %swap3A_658 = vector.shape_cast %add3A_654 : vector<16xf32> to vector<16xf32>
        tpu.vector_store %arg15[%swap3A_655], %swap3A_658 {strides = array<i32>} : memref<6256xf32, #tpu.memory_space<vmem>>, vector<16xf32>,
      }
      %scan3A_571 = arith.constant 196 : i32
      "tpu.region"() ({
        %run_scoped3A = tpu.sem_alloc : memref<!tpu.dma_semaphore, #tpu.memory_space<semaphore_mem>>
        %dma_start3A_572 = arith.constant 0 : i32
        %dma_start3A_573 = tpu.memref_slice %arg15[%dma_start3A_572] : memref<6256xf32, #tpu.memory_space<vmem>> -> memref<3136xf32, #tpu.memory_space<vmem>>
        %dma_start3A_574 = tpu.memref_slice %arg7[%mul3A_1] : memref<100000xf32, #tpu.memory_space<hbm>> -> memref<3136xf32, #tpu.memory_space<hbm>>
        %dma_start3A_575 = tpu.memref_slice %arg7[%mul3A_1] : memref<100000xf32, #tpu.memory_space<hbm>> -> memref<3136xf32, #tpu.memory_space<hbm>>
        %dma_start3A_576 = arith.constant 0 : i32
        %dma_start3A_577 = tpu.memref_slice %arg15[%dma_start3A_576] : memref<6256xf32, #tpu.memory_space<vmem>> -> memref<3136xf32, #tpu.memory_space<vmem>>
        tpu.enqueue_dma source(%dma_start3A_577 : memref<3136xf32, #tpu.memory_space<vmem>>) target(%dma_start3A_575 : memref<3136xf32, #tpu.memory_space<hbm>>) target_semaphore(%run_scoped3A : memref<!tpu.dma_semaphore, #tpu.memory_space<semaphore_mem>>)
        %dma_wait3A_578 = arith.constant 0 : i32
        %dma_wait3A_579 = tpu.memref_slice %arg15[%dma_wait3A_578] : memref<6256xf32, #tpu.memory_space<vmem>> -> memref<3136xf32, #tpu.memory_space<vmem>>
        %dma_wait3A_580 = tpu.memref_slice %arg7[%mul3A_1] : memref<100000xf32, #tpu.memory_space<hbm>> -> memref<3136xf32, #tpu.memory_space<hbm>>
        %dma_wait3A_581 = tpu.memref_slice %arg7[%mul3A_1] : memref<100000xf32, #tpu.memory_space<hbm>> -> memref<3136xf32, #tpu.memory_space<hbm>>
        %dma_wait3A_582 = arith.constant 0 : i32
        %dma_wait3A_583 = tpu.memref_slice %arg15[%dma_wait3A_582] : memref<6256xf32, #tpu.memory_space<vmem>> -> memref<3136xf32, #tpu.memory_space<vmem>>
        tpu.wait_dma2 semaphore(%run_scoped3A : memref<!tpu.dma_semaphore, #tpu.memory_space<semaphore_mem>>) src(%dma_wait3A_583 : memref<3136xf32, #tpu.memory_space<vmem>>) dst(%dma_wait3A_581 : memref<3136xf32, #tpu.memory_space<hbm>>)
        tpu.yield
      }) : () -> ()
    } else {
    }
    %not3A = arith.constant true
    %not3A_548 = arith.xori %eq3A_544, %not3A : i1
    %convert_element_type3A_549 = arith.extui %not3A_548 : i1 to i32
    %cond3A_550 = arith.constant 0 : i32
    %cond3A_551 = arith.cmpi ne, %convert_element_type3A_549, %cond3A_550 : i32
    scf.if %cond3A_551 {
      %scan3A_566 = arith.constant 0 : i32
      %scan3A_567 = arith.constant 196 : i32
      %scan3A_568 = arith.constant 192 : i32
      %scan3A_569 = arith.addi %scan3A_567, %scan3A_568 : i32
      %scan3A_570 = arith.constant 4 : i32
      scf.for %scan3A_638 = %scan3A_567 to %scan3A_569 step %scan3A_570  : i32 {
        %mul3A_639 = arith.constant 16 : i32
        %mul3A_640 = arith.muli %scan3A_638, %mul3A_639 : i32
        %get3A_641 = arith.index_cast %mul3A_640 : i32 to index
        %get3A_642 = tpu.vector_load %arg12[%get3A_641] {strides = array<i32>} : memref<6256xf32, #tpu.memory_space<vmem>>, vector<16xf32>,
        %get3A_643 = vector.shape_cast %get3A_642 : vector<16xf32> to vector<16xf32>
        %mul3A_644 = arith.mulf %get3A_643, %div3A : vector<16xf32>
        %get3A_645 = arith.index_cast %mul3A_640 : i32 to index
        %get3A_646 = tpu.vector_load %arg13[%get3A_645] {strides = array<i32>} : memref<6256xf32, #tpu.memory_space<vmem>>, vector<16xf32>,
        %get3A_647 = vector.shape_cast %get3A_646 : vector<16xf32> to vector<16xf32>
        %mul3A_648 = arith.mulf %get3A_647, %div3A_537 : vector<16xf32>
        %add3A_649 = arith.addf %mul3A_644, %mul3A_648 : vector<16xf32>
        %get3A_650 = arith.index_cast %mul3A_640 : i32 to index
        %get3A_651 = tpu.vector_load %arg14[%get3A_650] {strides = array<i32>} : memref<6256xf32, #tpu.memory_space<vmem>>, vector<16xf32>,
        %get3A_652 = vector.shape_cast %get3A_651 : vector<16xf32> to vector<16xf32>
        %mul3A_653 = arith.mulf %get3A_652, %div3A_542 : vector<16xf32>
        %add3A_654 = arith.addf %add3A_649, %mul3A_653 : vector<16xf32>
        %swap3A_655 = arith.index_cast %mul3A_640 : i32 to index
        %swap3A_656 = tpu.vector_load %arg15[%swap3A_655] {strides = array<i32>} : memref<6256xf32, #tpu.memory_space<vmem>>, vector<16xf32>,
        %swap3A_657 = vector.shape_cast %swap3A_656 : vector<16xf32> to vector<16xf32>
        %swap3A_658 = vector.shape_cast %add3A_654 : vector<16xf32> to vector<16xf32>
        tpu.vector_store %arg15[%swap3A_655], %swap3A_658 {strides = array<i32>} : memref<6256xf32, #tpu.memory_space<vmem>>, vector<16xf32>,
        %scan3A_659 = arith.constant 1 : i32
        %scan3A_660 = arith.addi %scan3A_638, %scan3A_659 : i32
        %mul3A_661 = arith.constant 16 : i32
        %mul3A_662 = arith.muli %scan3A_660, %mul3A_661 : i32
        %get3A_663 = arith.index_cast %mul3A_662 : i32 to index
        %get3A_664 = tpu.vector_load %arg12[%get3A_663] {strides = array<i32>} : memref<6256xf32, #tpu.memory_space<vmem>>, vector<16xf32>,
        %get3A_665 = vector.shape_cast %get3A_664 : vector<16xf32> to vector<16xf32>
        %mul3A_666 = arith.mulf %get3A_665, %div3A : vector<16xf32>
        %get3A_667 = arith.index_cast %mul3A_662 : i32 to index
        %get3A_668 = tpu.vector_load %arg13[%get3A_667] {strides = array<i32>} : memref<6256xf32, #tpu.memory_space<vmem>>, vector<16xf32>,
        %get3A_669 = vector.shape_cast %get3A_668 : vector<16xf32> to vector<16xf32>
        %mul3A_670 = arith.mulf %get3A_669, %div3A_537 : vector<16xf32>
        %add3A_671 = arith.addf %mul3A_666, %mul3A_670 : vector<16xf32>
        %get3A_672 = arith.index_cast %mul3A_662 : i32 to index
        %get3A_673 = tpu.vector_load %arg14[%get3A_672] {strides = array<i32>} : memref<6256xf32, #tpu.memory_space<vmem>>, vector<16xf32>,
        %get3A_674 = vector.shape_cast %get3A_673 : vector<16xf32> to vector<16xf32>
        %mul3A_675 = arith.mulf %get3A_674, %div3A_542 : vector<16xf32>
        %add3A_676 = arith.addf %add3A_671, %mul3A_675 : vector<16xf32>
        %swap3A_677 = arith.index_cast %mul3A_662 : i32 to index
        %swap3A_678 = tpu.vector_load %arg15[%swap3A_677] {strides = array<i32>} : memref<6256xf32, #tpu.memory_space<vmem>>, vector<16xf32>,
        %swap3A_679 = vector.shape_cast %swap3A_678 : vector<16xf32> to vector<16xf32>
        %swap3A_680 = vector.shape_cast %add3A_676 : vector<16xf32> to vector<16xf32>
        tpu.vector_store %arg15[%swap3A_677], %swap3A_680 {strides = array<i32>} : memref<6256xf32, #tpu.memory_space<vmem>>, vector<16xf32>,
        %scan3A_681 = arith.constant 2 : i32
        %scan3A_682 = arith.addi %scan3A_638, %scan3A_681 : i32
        %mul3A_683 = arith.constant 16 : i32
        %mul3A_684 = arith.muli %scan3A_682, %mul3A_683 : i32
        %get3A_685 = arith.index_cast %mul3A_684 : i32 to index
        %get3A_686 = tpu.vector_load %arg12[%get3A_685] {strides = array<i32>} : memref<6256xf32, #tpu.memory_space<vmem>>, vector<16xf32>,
        %get3A_687 = vector.shape_cast %get3A_686 : vector<16xf32> to vector<16xf32>
        %mul3A_688 = arith.mulf %get3A_687, %div3A : vector<16xf32>
        %get3A_689 = arith.index_cast %mul3A_684 : i32 to index
        %get3A_690 = tpu.vector_load %arg13[%get3A_689] {strides = array<i32>} : memref<6256xf32, #tpu.memory_space<vmem>>, vector<16xf32>,
        %get3A_691 = vector.shape_cast %get3A_690 : vector<16xf32> to vector<16xf32>
        %mul3A_692 = arith.mulf %get3A_691, %div3A_537 : vector<16xf32>
        %add3A_693 = arith.addf %mul3A_688, %mul3A_692 : vector<16xf32>
        %get3A_694 = arith.index_cast %mul3A_684 : i32 to index
        %get3A_695 = tpu.vector_load %arg14[%get3A_694] {strides = array<i32>} : memref<6256xf32, #tpu.memory_space<vmem>>, vector<16xf32>,
        %get3A_696 = vector.shape_cast %get3A_695 : vector<16xf32> to vector<16xf32>
        %mul3A_697 = arith.mulf %get3A_696, %div3A_542 : vector<16xf32>
        %add3A_698 = arith.addf %add3A_693, %mul3A_697 : vector<16xf32>
        %swap3A_699 = arith.index_cast %mul3A_684 : i32 to index
        %swap3A_700 = tpu.vector_load %arg15[%swap3A_699] {strides = array<i32>} : memref<6256xf32, #tpu.memory_space<vmem>>, vector<16xf32>,
        %swap3A_701 = vector.shape_cast %swap3A_700 : vector<16xf32> to vector<16xf32>
        %swap3A_702 = vector.shape_cast %add3A_698 : vector<16xf32> to vector<16xf32>
        tpu.vector_store %arg15[%swap3A_699], %swap3A_702 {strides = array<i32>} : memref<6256xf32, #tpu.memory_space<vmem>>, vector<16xf32>,
        %scan3A_703 = arith.constant 3 : i32
        %scan3A_704 = arith.addi %scan3A_638, %scan3A_703 : i32
        %mul3A_705 = arith.constant 16 : i32
        %mul3A_706 = arith.muli %scan3A_704, %mul3A_705 : i32
        %get3A_707 = arith.index_cast %mul3A_706 : i32 to index
        %get3A_708 = tpu.vector_load %arg12[%get3A_707] {strides = array<i32>} : memref<6256xf32, #tpu.memory_space<vmem>>, vector<16xf32>,
        %get3A_709 = vector.shape_cast %get3A_708 : vector<16xf32> to vector<16xf32>
        %mul3A_710 = arith.mulf %get3A_709, %div3A : vector<16xf32>
        %get3A_711 = arith.index_cast %mul3A_706 : i32 to index
        %get3A_712 = tpu.vector_load %arg13[%get3A_711] {strides = array<i32>} : memref<6256xf32, #tpu.memory_space<vmem>>, vector<16xf32>,
        %get3A_713 = vector.shape_cast %get3A_712 : vector<16xf32> to vector<16xf32>
        %mul3A_714 = arith.mulf %get3A_713, %div3A_537 : vector<16xf32>
        %add3A_715 = arith.addf %mul3A_710, %mul3A_714 : vector<16xf32>
        %get3A_716 = arith.index_cast %mul3A_706 : i32 to index
        %get3A_717 = tpu.vector_load %arg14[%get3A_716] {strides = array<i32>} : memref<6256xf32, #tpu.memory_space<vmem>>, vector<16xf32>,
        %get3A_718 = vector.shape_cast %get3A_717 : vector<16xf32> to vector<16xf32>
        %mul3A_719 = arith.mulf %get3A_718, %div3A_542 : vector<16xf32>
        %add3A_720 = arith.addf %add3A_715, %mul3A_719 : vector<16xf32>
        %swap3A_721 = arith.index_cast %mul3A_706 : i32 to index
        %swap3A_722 = tpu.vector_load %arg15[%swap3A_721] {strides = array<i32>} : memref<6256xf32, #tpu.memory_space<vmem>>, vector<16xf32>,
        %swap3A_723 = vector.shape_cast %swap3A_722 : vector<16xf32> to vector<16xf32>
        %swap3A_724 = vector.shape_cast %add3A_720 : vector<16xf32> to vector<16xf32>
        tpu.vector_store %arg15[%swap3A_721], %swap3A_724 {strides = array<i32>} : memref<6256xf32, #tpu.memory_space<vmem>>, vector<16xf32>,
      }
      %scan3A_571 = arith.constant 192 : i32
      %scan3A_572 = arith.addi %scan3A_567, %scan3A_571 : i32
      %mul3A_573 = arith.constant 16 : i32
      %mul3A_574 = arith.muli %scan3A_572, %mul3A_573 : i32
      %get3A_575 = arith.index_cast %mul3A_574 : i32 to index
      %get3A_576 = tpu.vector_load %arg12[%get3A_575] {strides = array<i32>} : memref<6256xf32, #tpu.memory_space<vmem>>, vector<16xf32>,
      %get3A_577 = vector.shape_cast %get3A_576 : vector<16xf32> to vector<16xf32>
      %mul3A_578 = arith.mulf %get3A_577, %div3A : vector<16xf32>
      %get3A_579 = arith.index_cast %mul3A_574 : i32 to index
      %get3A_580 = tpu.vector_load %arg13[%get3A_579] {strides = array<i32>} : memref<6256xf32, #tpu.memory_space<vmem>>, vector<16xf32>,
      %get3A_581 = vector.shape_cast %get3A_580 : vector<16xf32> to vector<16xf32>
      %mul3A_582 = arith.mulf %get3A_581, %div3A_537 : vector<16xf32>
      %add3A_583 = arith.addf %mul3A_578, %mul3A_582 : vector<16xf32>
      %get3A_584 = arith.index_cast %mul3A_574 : i32 to index
      %get3A_585 = tpu.vector_load %arg14[%get3A_584] {strides = array<i32>} : memref<6256xf32, #tpu.memory_space<vmem>>, vector<16xf32>,
      %get3A_586 = vector.shape_cast %get3A_585 : vector<16xf32> to vector<16xf32>
      %mul3A_587 = arith.mulf %get3A_586, %div3A_542 : vector<16xf32>
      %add3A_588 = arith.addf %add3A_583, %mul3A_587 : vector<16xf32>
      %swap3A_589 = arith.index_cast %mul3A_574 : i32 to index
      %swap3A_590 = tpu.vector_load %arg15[%swap3A_589] {strides = array<i32>} : memref<6256xf32, #tpu.memory_space<vmem>>, vector<16xf32>,
      %swap3A_591 = vector.shape_cast %swap3A_590 : vector<16xf32> to vector<16xf32>
      %swap3A_592 = vector.shape_cast %add3A_588 : vector<16xf32> to vector<16xf32>
      tpu.vector_store %arg15[%swap3A_589], %swap3A_592 {strides = array<i32>} : memref<6256xf32, #tpu.memory_space<vmem>>, vector<16xf32>,
      %scan3A_593 = arith.constant 193 : i32
      %scan3A_594 = arith.addi %scan3A_567, %scan3A_593 : i32
      %mul3A_595 = arith.constant 16 : i32
      %mul3A_596 = arith.muli %scan3A_594, %mul3A_595 : i32
      %get3A_597 = arith.index_cast %mul3A_596 : i32 to index
      %get3A_598 = tpu.vector_load %arg12[%get3A_597] {strides = array<i32>} : memref<6256xf32, #tpu.memory_space<vmem>>, vector<16xf32>,
      %get3A_599 = vector.shape_cast %get3A_598 : vector<16xf32> to vector<16xf32>
      %mul3A_600 = arith.mulf %get3A_599, %div3A : vector<16xf32>
      %get3A_601 = arith.index_cast %mul3A_596 : i32 to index
      %get3A_602 = tpu.vector_load %arg13[%get3A_601] {strides = array<i32>} : memref<6256xf32, #tpu.memory_space<vmem>>, vector<16xf32>,
      %get3A_603 = vector.shape_cast %get3A_602 : vector<16xf32> to vector<16xf32>
      %mul3A_604 = arith.mulf %get3A_603, %div3A_537 : vector<16xf32>
      %add3A_605 = arith.addf %mul3A_600, %mul3A_604 : vector<16xf32>
      %get3A_606 = arith.index_cast %mul3A_596 : i32 to index
      %get3A_607 = tpu.vector_load %arg14[%get3A_606] {strides = array<i32>} : memref<6256xf32, #tpu.memory_space<vmem>>, vector<16xf32>,
      %get3A_608 = vector.shape_cast %get3A_607 : vector<16xf32> to vector<16xf32>
      %mul3A_609 = arith.mulf %get3A_608, %div3A_542 : vector<16xf32>
      %add3A_610 = arith.addf %add3A_605, %mul3A_609 : vector<16xf32>
      %swap3A_611 = arith.index_cast %mul3A_596 : i32 to index
      %swap3A_612 = tpu.vector_load %arg15[%swap3A_611] {strides = array<i32>} : memref<6256xf32, #tpu.memory_space<vmem>>, vector<16xf32>,
      %swap3A_613 = vector.shape_cast %swap3A_612 : vector<16xf32> to vector<16xf32>
      %swap3A_614 = vector.shape_cast %add3A_610 : vector<16xf32> to vector<16xf32>
      tpu.vector_store %arg15[%swap3A_611], %swap3A_614 {strides = array<i32>} : memref<6256xf32, #tpu.memory_space<vmem>>, vector<16xf32>,
      %scan3A_615 = arith.constant 194 : i32
      %scan3A_616 = arith.addi %scan3A_567, %scan3A_615 : i32
      %mul3A_617 = arith.constant 16 : i32
      %mul3A_618 = arith.muli %scan3A_616, %mul3A_617 : i32
      %get3A_619 = arith.index_cast %mul3A_618 : i32 to index
      %get3A_620 = tpu.vector_load %arg12[%get3A_619] {strides = array<i32>} : memref<6256xf32, #tpu.memory_space<vmem>>, vector<16xf32>,
      %get3A_621 = vector.shape_cast %get3A_620 : vector<16xf32> to vector<16xf32>
      %mul3A_622 = arith.mulf %get3A_621, %div3A : vector<16xf32>
      %get3A_623 = arith.index_cast %mul3A_618 : i32 to index
      %get3A_624 = tpu.vector_load %arg13[%get3A_623] {strides = array<i32>} : memref<6256xf32, #tpu.memory_space<vmem>>, vector<16xf32>,
      %get3A_625 = vector.shape_cast %get3A_624 : vector<16xf32> to vector<16xf32>
      %mul3A_626 = arith.mulf %get3A_625, %div3A_537 : vector<16xf32>
      %add3A_627 = arith.addf %mul3A_622, %mul3A_626 : vector<16xf32>
      %get3A_628 = arith.index_cast %mul3A_618 : i32 to index
      %get3A_629 = tpu.vector_load %arg14[%get3A_628] {strides = array<i32>} : memref<6256xf32, #tpu.memory_space<vmem>>, vector<16xf32>,
      %get3A_630 = vector.shape_cast %get3A_629 : vector<16xf32> to vector<16xf32>
      %mul3A_631 = arith.mulf %get3A_630, %div3A_542 : vector<16xf32>
      %add3A_632 = arith.addf %add3A_627, %mul3A_631 : vector<16xf32>
      %swap3A_633 = arith.index_cast %mul3A_618 : i32 to index
      %swap3A_634 = tpu.vector_load %arg15[%swap3A_633] {strides = array<i32>} : memref<6256xf32, #tpu.memory_space<vmem>>, vector<16xf32>,
      %swap3A_635 = vector.shape_cast %swap3A_634 : vector<16xf32> to vector<16xf32>
      %swap3A_636 = vector.shape_cast %add3A_632 : vector<16xf32> to vector<16xf32>
      tpu.vector_store %arg15[%swap3A_633], %swap3A_636 {strides = array<i32>} : memref<6256xf32, #tpu.memory_space<vmem>>, vector<16xf32>,
      %scan3A_637 = arith.constant 195 : i32
    } else {
    }
    %not3A_552 = arith.constant true
    %not3A_553 = arith.xori %eq3A_544, %not3A_552 : i1
    %not3A_554 = arith.constant true
    %not3A_555 = arith.xori %eq3A_0, %not3A_554 : i1
    %and3A_556 = arith.andi %not3A_553, %not3A_555 : i1
    %convert_element_type3A_557 = arith.extui %and3A_556 : i1 to i32
    %cond3A_558 = arith.constant 0 : i32
    %cond3A_559 = arith.cmpi ne, %convert_element_type3A_557, %cond3A_558 : i32
    scf.if %cond3A_559 {
      %add3A_566 = arith.constant 3136 : i32
      %add3A_567 = arith.addi %mul3A_1, %add3A_566 : i32
      "tpu.region"() ({
        %run_scoped3A = tpu.sem_alloc : memref<!tpu.dma_semaphore, #tpu.memory_space<semaphore_mem>>
        %dma_start3A_568 = arith.constant 3136 : i32
        %dma_start3A_569 = tpu.memref_slice %arg15[%dma_start3A_568] : memref<6256xf32, #tpu.memory_space<vmem>> -> memref<3120xf32, #tpu.memory_space<vmem>>
        %dma_start3A_570 = tpu.memref_slice %arg7[%add3A_567] : memref<100000xf32, #tpu.memory_space<hbm>> -> memref<3120xf32, #tpu.memory_space<hbm>>
        %dma_start3A_571 = tpu.memref_slice %arg7[%add3A_567] : memref<100000xf32, #tpu.memory_space<hbm>> -> memref<3120xf32, #tpu.memory_space<hbm>>
        %dma_start3A_572 = arith.constant 3136 : i32
        %dma_start3A_573 = tpu.memref_slice %arg15[%dma_start3A_572] : memref<6256xf32, #tpu.memory_space<vmem>> -> memref<3120xf32, #tpu.memory_space<vmem>>
        tpu.enqueue_dma source(%dma_start3A_573 : memref<3120xf32, #tpu.memory_space<vmem>>) target(%dma_start3A_571 : memref<3120xf32, #tpu.memory_space<hbm>>) target_semaphore(%run_scoped3A : memref<!tpu.dma_semaphore, #tpu.memory_space<semaphore_mem>>)
        %dma_wait3A_574 = arith.constant 3136 : i32
        %dma_wait3A_575 = tpu.memref_slice %arg15[%dma_wait3A_574] : memref<6256xf32, #tpu.memory_space<vmem>> -> memref<3120xf32, #tpu.memory_space<vmem>>
        %dma_wait3A_576 = tpu.memref_slice %arg7[%add3A_567] : memref<100000xf32, #tpu.memory_space<hbm>> -> memref<3120xf32, #tpu.memory_space<hbm>>
        %dma_wait3A_577 = tpu.memref_slice %arg7[%add3A_567] : memref<100000xf32, #tpu.memory_space<hbm>> -> memref<3120xf32, #tpu.memory_space<hbm>>
        %dma_wait3A_578 = arith.constant 3136 : i32
        %dma_wait3A_579 = tpu.memref_slice %arg15[%dma_wait3A_578] : memref<6256xf32, #tpu.memory_space<vmem>> -> memref<3120xf32, #tpu.memory_space<vmem>>
        tpu.wait_dma2 semaphore(%run_scoped3A : memref<!tpu.dma_semaphore, #tpu.memory_space<semaphore_mem>>) src(%dma_wait3A_579 : memref<3120xf32, #tpu.memory_space<vmem>>) dst(%dma_wait3A_577 : memref<3120xf32, #tpu.memory_space<hbm>>)
        tpu.yield
      }) : () -> ()
    } else {
    }
    %not3A_560 = arith.constant true
    %not3A_561 = arith.xori %eq3A_544, %not3A_560 : i1
    %and3A_562 = arith.andi %not3A_561, %eq3A_0 : i1
    %convert_element_type3A_563 = arith.extui %and3A_562 : i1 to i32
    %cond3A_564 = arith.constant 0 : i32
    %cond3A_565 = arith.cmpi ne, %convert_element_type3A_563, %cond3A_564 : i32
    scf.if %cond3A_565 {
      %add3A_566 = arith.constant 3136 : i32
      %add3A_567 = arith.addi %mul3A_1, %add3A_566 : i32
      "tpu.region"() ({
        %run_scoped3A = tpu.sem_alloc : memref<!tpu.dma_semaphore, #tpu.memory_space<semaphore_mem>>
        %dma_start3A_568 = arith.constant 3136 : i32
        %dma_start3A_569 = tpu.memref_slice %arg15[%dma_start3A_568] : memref<6256xf32, #tpu.memory_space<vmem>> -> memref<3024xf32, #tpu.memory_space<vmem>>
        %dma_start3A_570 = tpu.memref_slice %arg7[%add3A_567] : memref<100000xf32, #tpu.memory_space<hbm>> -> memref<3024xf32, #tpu.memory_space<hbm>>
        %dma_start3A_571 = tpu.memref_slice %arg7[%add3A_567] : memref<100000xf32, #tpu.memory_space<hbm>> -> memref<3024xf32, #tpu.memory_space<hbm>>
        %dma_start3A_572 = arith.constant 3136 : i32
        %dma_start3A_573 = tpu.memref_slice %arg15[%dma_start3A_572] : memref<6256xf32, #tpu.memory_space<vmem>> -> memref<3024xf32, #tpu.memory_space<vmem>>
        tpu.enqueue_dma source(%dma_start3A_573 : memref<3024xf32, #tpu.memory_space<vmem>>) target(%dma_start3A_571 : memref<3024xf32, #tpu.memory_space<hbm>>) target_semaphore(%run_scoped3A : memref<!tpu.dma_semaphore, #tpu.memory_space<semaphore_mem>>)
        %dma_wait3A_574 = arith.constant 3136 : i32
        %dma_wait3A_575 = tpu.memref_slice %arg15[%dma_wait3A_574] : memref<6256xf32, #tpu.memory_space<vmem>> -> memref<3024xf32, #tpu.memory_space<vmem>>
        %dma_wait3A_576 = tpu.memref_slice %arg7[%add3A_567] : memref<100000xf32, #tpu.memory_space<hbm>> -> memref<3024xf32, #tpu.memory_space<hbm>>
        %dma_wait3A_577 = tpu.memref_slice %arg7[%add3A_567] : memref<100000xf32, #tpu.memory_space<hbm>> -> memref<3024xf32, #tpu.memory_space<hbm>>
        %dma_wait3A_578 = arith.constant 3136 : i32
        %dma_wait3A_579 = tpu.memref_slice %arg15[%dma_wait3A_578] : memref<6256xf32, #tpu.memory_space<vmem>> -> memref<3024xf32, #tpu.memory_space<vmem>>
        tpu.wait_dma2 semaphore(%run_scoped3A : memref<!tpu.dma_semaphore, #tpu.memory_space<semaphore_mem>>) src(%dma_wait3A_579 : memref<3024xf32, #tpu.memory_space<vmem>>) dst(%dma_wait3A_577 : memref<3024xf32, #tpu.memory_space<hbm>>)
        tpu.yield
      }) : () -> ()
    } else {
    }
    return
  }
}

</mosaic_0001>

<sc_bundles>
// kernel: kernel.3.cloned.1.call-start
scs
__scs_entry_jumppad:
0x0: {  	(pc) =	sbr.rel $0x88, $3  }
0x1: {  	(tag) =	ssettag $0x0;
	lr =	simm.s32 $0x1  }
0x2: {  	[smem:$0x3F9C] =	sst lr;
	_ =	strace $0xD0000000  }
0x3: {  	_ = 	snop  }
0x4: {  	_ = 	snop  }
0x5: {  	_ = 	snop  }
0x6: {  	_ = 	snop  }
0x7: {  	_ = 	snop  }
__scs_overlays_trampoline_lowered:
0x8: {  	[smem:$0x3FAB] =	sst s0  }
0x9: {  	[smem:$0x3FAC] =	sst s1  }
0xa: {  	[smem:$0x3FAD] =	sst s2  }
0xb: {  	[smem:$0x3FAE] =	sst s3  }
0xc: {  	[smem:$0x3FAF] =	sst s4  }
0xd: {  	[smem:$0x3FB0] =	sst s5  }
0xe: {  	[smem:$0x3FB1] =	sst s6  }
0xf: {  	[smem:$0x3FB2] =	sst s7  }
0x10: {  	[smem:$0x3FB3] =	sst s8  }
0x11: {  	[smem:$0x3FB4] =	sst s9;
	s0 =	simm.s32 @!p0 $0x0  }
0x12: {  	s1 =	sld [smem:$0x3F9A];
	s0 =	simm.s32 @p0 $0x1  }
0x13: {  	[smem:$0x3FB5] =	sst s0;
	s0 =	simm.s32 @!p1 $0x0  }
0x14: {  	s2 =	sld [smem:$0x3F99];
	s0 =	simm.s32 @p1 $0x1  }
0x15: {  	[smem:$0x3FB6] =	sst s0;
	s0 =	simm.s32 @!p2 $0x0  }
0x16: {  	s3 =	sld [smem:$0x3FDB];
	s0 =	simm.s32 @p2 $0x1  }
0x17: {  	s4 =	simm.s32 $0x1BF5;
	[smem:$0x3FB8] =	sst s0  }
0x18: {  	s0 =	sld [smem:$0x3F9B];
	_ =	swait.ge [sflag:s4], $0x0  }
0x19: {  	s7 =	sld [smem:$0x3F9C]  }
0x1a: {  	s8 =	sadd.s32 $0xFFFFE003, lr  }
0x1b: {  	s9 =	sadd.s32 $0xFFFFFEF7, lr;
	s5 =	simm.s32 $0xFFFFFFFF;
	p2 =	slt.u32 s8, $0xFFFFF086  }
0x1c: {  	p1 =	slt.u32 s9, $0xF7A;
	s5 =	simm.s32 @!p2 $0x0  }
0x1d: {  	s5 =	simm.s32 @p1 $0x1;
	p0 =	seq.s32 s7, s2  }
0x1e: {  	s7 =	smul.u32 @!p0 $0xF7A, s2;
	p2 =	seq.s32 @!p0 s5, $0x0  }
0x1f: {  	s9 =	smul.u32 $0xF7A, s1;
	s8 =	simm.s32 @!p0 $0x1BF5;
	p2 =	por !p2, p0  }
0x20: {  	[sflag:s8] =	ssyncset.s32 @!p0 $0xFFFFF086;
	s6 =	sadd.s32 @!p0 s3, s7;
	s7 =	simm.s32 @!p0 $0x108  }
0x21: {  	s3 =	sadd.s32 s3, s9;
	s6 =	sadd.s32 @!p0 $0x88, s6;
	s7 =	simm.s32 @p2 $0x1082  }
0x22: {  	[simem:s7], [sflag:s8] =	dma.local @!p0 [hbm:s6], $0xF7A  }
0x23: {  	s9 =	sor.u32 $0xD0000000, s2;
	s6 =	simm.s32 $0x108;
	_ =	swait.ge @!p0 [sflag:s8], $0x0  }
0x24: {  	s3 =	sadd.s32 $0x88, s3;
	s6 =	simm.s32 @!p1 $0x1082;
	[sflag:s4] =	ssyncset.s32 $0xFFFFF086  }
0x25: {  	[simem:s6], [sflag:s4] =	dma.local [hbm:s3], $0xF7A  }
0x26: {  	[smem:$0x3F9C] =	sst s1;
	(tag) =	ssettag s2;
	_ =	strace s9  }
0x27: {  	s1 =	sld [smem:$0x3FAC]  }
0x28: {  	s2 =	sld [smem:$0x3FAD]  }
0x29: {  	s4 =	sld [smem:$0x3FAF]  }
0x2a: {  	p0 =	seq.s32 s5, $0x0;
	s5 =	sld [smem:$0x3FB0]  }
0x2b: {  	s6 =	sld [smem:$0x3FB1]  }
0x2c: {  	s7 =	sld [smem:$0x3FB2]  }
0x2d: {  	s3 =	simm.s32 $0x108;
	s8 =	sld [smem:$0x3FB3]  }
0x2e: {  	s3 =	simm.s32 @!p0 $0x1082;
	s9 =	sld [smem:$0x3FB4]  }
0x2f: {  	lr =	sadd.s32 s0, s3;
	s0 =	sld [smem:$0x3FAB]  }
0x30: {  	s3 =	sld [smem:$0x3FAE]  }
0x31: {  	[smem:$0x3FB7] =	sst s10  }
0x32: {  	s10 =	sld [smem:$0x3FB5];
	_ =	sdelay $0x3  }
0x33: {  	p0 =	seq.s32 s10, $0x1;
	s10 =	sld [smem:$0x3FB7];
	_ =	sdelay $0x3  }
0x34: {  	[smem:$0x3FB7] =	sst s10  }
0x35: {  	s10 =	sld [smem:$0x3FB6];
	_ =	sdelay $0x3  }
0x36: {  	p1 =	seq.s32 s10, $0x1;
	s10 =	sld [smem:$0x3FB7];
	_ =	sdelay $0x3  }
0x37: {  	[smem:$0x3FB7] =	sst s10  }
0x38: {  	s10 =	sld [smem:$0x3FB8]  }
0x39: {  	_ = 	snop;
	(pc) =	sbr.ind lr, $3  }
0x3a: {  	_ = 	snop  }
0x3b: {  	_ = 	snop  }
0x3c: {  	p2 =	seq.s32 s10, $0x1;
	s10 =	sld [smem:$0x3FB7]  }
0x3d: {  	_ =	shalt  }
0x3e: {  	_ =	shalt  }
0x3f: {  	_ =	shalt  }
0x40: {  	_ =	shalt  }
0x41: {  	_ =	shalt  }
0x42: {  	_ =	shalt  }
0x43: {  	_ =	shalt  }
0x44: {  	_ =	shalt  }
0x45: {  	_ =	shalt  }
0x46: {  	_ =	shalt  }
0x47: {  	_ =	shalt  }
0x48: {  	_ =	shalt  }
0x49: {  	_ =	shalt  }
0x4a: {  	_ =	shalt  }
0x4b: {  	_ =	shalt  }
0x4c: {  	_ =	shalt  }
0x4d: {  	_ =	shalt  }
0x4e: {  	_ =	shalt  }
0x4f: {  	_ =	shalt  }
0x50: {  	_ =	shalt  }
0x51: {  	_ =	shalt  }
0x52: {  	_ =	shalt  }
0x53: {  	_ =	shalt  }
0x54: {  	_ =	shalt  }
0x55: {  	_ =	shalt  }
0x56: {  	_ =	shalt  }
0x57: {  	_ =	shalt  }
0x58: {  	_ =	shalt  }
0x59: {  	_ =	shalt  }
0x5a: {  	_ =	shalt  }
0x5b: {  	_ =	shalt  }
0x5c: {  	_ =	shalt  }
0x5d: {  	_ =	shalt  }
0x5e: {  	_ =	shalt  }
0x5f: {  	_ =	shalt  }
0x60: {  	_ =	shalt  }
0x61: {  	_ =	shalt  }
0x62: {  	_ =	shalt  }
0x63: {  	_ =	shalt  }
0x64: {  	_ =	shalt  }
0x65: {  	_ =	shalt  }
0x66: {  	_ =	shalt  }
0x67: {  	_ =	shalt  }
0x68: {  	_ =	shalt  }
0x69: {  	_ =	shalt  }
0x6a: {  	_ =	shalt  }
0x6b: {  	_ =	shalt  }
0x6c: {  	_ =	shalt  }
0x6d: {  	_ =	shalt  }
0x6e: {  	_ =	shalt  }
0x6f: {  	_ =	shalt  }
0x70: {  	_ =	shalt  }
0x71: {  	_ =	shalt  }
0x72: {  	_ =	shalt  }
0x73: {  	_ =	shalt  }
0x74: {  	_ =	shalt  }
0x75: {  	_ =	shalt  }
0x76: {  	_ =	shalt  }
0x77: {  	_ =	shalt  }
0x78: {  	_ =	shalt  }
0x79: {  	_ =	shalt  }
0x7a: {  	_ =	shalt  }
0x7b: {  	_ =	shalt  }
0x7c: {  	_ =	shalt  }
0x7d: {  	_ =	shalt  }
0x7e: {  	_ =	shalt  }
0x7f: {  	_ =	shalt  }
0x80: {  	_ =	shalt  }
0x81: {  	_ =	shalt  }
0x82: {  	_ =	shalt  }
0x83: {  	_ =	shalt  }
0x84: {  	_ =	shalt  }
0x85: {  	_ =	shalt  }
0x86: {  	_ =	shalt  }
0x87: {  	_ =	shalt  }
.Lfunc_end0:
.L_simem_size_0:
called_computation_lowered:
.L_overlay_start_0:
0x88: {  	s2 =	sld [smem:$0x3FD9]  }
0x89: {  	s3 =	sld [smem:$0x3FFE];
	_ =	sdelay $0x1  }
0x8a: {  	s1 =	srdreg.scid  }
0x8b: {  	s0 =	sand.u32 $0x1, s1  }
0x8c: {  	s17 =	sshll.u32 s0, $0xA;
	s2 =	sadd.s32 s3, s2  }
0x8d: {  	s2 =	sadd.s32 s2, s17  }
0x8e: {  	[smem:$0x3FC3] =	sst s2  }
0x8f: {  	_ = 	snop  }
0x90: {  	s2 =	sld [smem:$0x3FC9]  }
0x91: {  	s18 =	sld [smem:$0x3FC7]  }
0x92: {  	s4 =	sld [smem:$0x3FC6]  }
0x93: {  	s5 =	sld [smem:$0x3FC5]  }
0x94: {  	s6 =	sld [smem:$0x3FD0];
	(tm) =	ssettm $0x1  }
0x95: {  	s7 =	sld [smem:$0x3FFB];
	_ =	sdelay $0x3  }
0x96: {  	_ =	strace s7  }
0x97: {  	s7 =	sld [smem:$0x3FFC];
	_ =	sdelay $0x3  }
0x98: {  	_ =	strace s7  }
0x99: {  	s7 =	sld [smem:$0x3FFD];
	_ =	sdelay $0x3  }
0x9a: {  	_ =	strace s7  }
0x9b: {  	_ =	strace $0x8FFFFFFF  }
0x9c: {  	s19 =	sld [smem:$0x3FDB];
	_ =	sdelay $0x1  }
0x9d: {  	s8 =	simm.s32 $_scs_section_size  }
0x9e: {  	s9 =	simm.s32 $_size__tile_overlayer_lowered;
	s10 =	simm.s32 $_tile_overlayer_lowered  }
0x9f: {  	s22 =	simm.s32 $0x1BFF;
	s21 =	sshll.u32 s10, $0x1;
	s7 =	sadd.s32 s8, s19  }
0xa0: {  	s11 =	simm.s32 $0x0;
	s20 =	sshll.u32 s9, $0x1;
	s9 =	sadd.s32 s21, s7  }
0xa1: {  	[timem:s11], [sflag:s22] =	dma.local [hbm:s9], s20  }
0xa2: {  	_ =	swait.ge [sflag:s22], s20  }
0xa3: {  	s8 =	ssub.s32 $0x0, s20;
	[sflag:s22] =	ssyncset.done $0x0  }
0xa4: {  	[sflag:s22] =	ssyncadd.s32 s8;
	_ =	sdelay $0x1  }
0xa5: {  	s23 =	simm.s32 $0x1B8B  }
0xa6: {  	_ =	swait.ge [sflag:s23], $0x1  }
0xa7: {  	[sflag:s23] =	ssyncset.done $0x0  }
0xa8: {  	s25 =	simm.s32 $0x1B8E;
	s24 =	sld [smem:$0x3FFE];
	[sflag:s23] =	ssyncadd.s32 $0xFFFFFFFF  }
0xa9: {  	s26 =	simm.s32 $execute0_lowered;
	[smem:$0x3FD2] =	sst s25  }
0xaa: {  	s9 =	sshll.u32 s26, $0x1;
	_ =	strace $0x80000046;
	[dreg:$0x1] =	wrdreg $0xFFFFFFFF  }
0xab: {  	s28 =	simm.s32 $_size_execute0_lowered;
	s7 =	sadd.s32 s7, s9;
	[dreg:$0x0] =	wrdreg $0x0  }
0xac: {  	s9 =	sshll.u32 s28, $0x1;
	[dreg:$0x2] =	wrdreg s7  }
0xad: {  	[dreg:$0x3] =	wrdreg s9  }
0xae: {  	[dreg:$0x4] =	wrdreg $0xC0  }
0xaf: {  	_ =	task [dreg:s11], $0x5FFFF  }
0xb0: {  	[dreg:$0x1] =	wrdreg $0xFFFFFFFF  }
0xb1: {  	[dreg:$0x0] =	wrdreg $0x60  }
0xb2: {  	[dreg:$0x2] =	wrdreg s2  }
0xb3: {  	[dreg:$0x3] =	wrdreg s24  }
0xb4: {  	[dreg:$0x4] =	wrdreg s18  }
0xb5: {  	[dreg:$0x5] =	wrdreg s4  }
0xb6: {  	[dreg:$0x6] =	wrdreg s5  }
0xb7: {  	[dreg:$0x7] =	wrdreg s6  }
0xb8: {  	[dreg:$0x8] =	wrdreg $0x97800  }
0xb9: {  	[dreg:$0x9] =	wrdreg $0x9  }
0xba: {  	_ =	task.clear_ibuf [dreg:s11], $0xAFFFF;
	_ =	strace $0x90000046  }
0xbb: {  	s29 =	simm.s32 $0x9;
	_ =	strace $0x80000048  }
0xbc: {  	_ =	swait.ge [sflag:s29], $0x1  }
0xbd: {  	[sflag:s29] =	ssyncadd.s32 $0xFFFFFFFF  }
0xbe: {  	_ =	strace $0x90000048  }
0xbf: {  	_ =	sfence  }
0xc0: {  	s30 =	sld [smem:$0x0];
	_ =	sdelay $0x2  }
0xc1: {  	s31 =	sshll.u32 s1, $0xD;
	s1 =	sshrl.u32 s1, $0x2  }
0xc2: {  	s3 =	sand.u32 $0x4000, s31;
	s1 =	sadd.s32 s1, s30  }
0xc3: {  	s0 =	sor.u32 s3, s0;
	s1 =	sshll.u32 s1, $0x11  }
0xc4: {  	s0 =	sor.u32 s1, s0  }
0xc5: {  	s0 =	sadd.s32 $0x8F2B, s0  }
0xc6: {  	[sflag:s0] =	ssyncadd.remote.s32 $0x1  }
0xc7: {  	_ =	sfence.sel $0xFFFF  }
0xc8: {  	[dreg:$0x0] =	wrdreg $0xFFFFFFFF;
	(pc) =	sbr.abs _section_cstart, $3  }
0xc9: {  	[dreg:$0x1] =	wrdreg $0xFFFFFFFF  }
0xca: {  	_ =	task.clear_ibuf [dreg:s11], $0x2FFFF;
	_ =	strace $0x9FFFFFFF  }
0xcb: {  	(tm) =	ssettm $0x7FFFFFFF  }
tec
execute0_lowered:
.L_overlay_start_1:
0x0: {  	(tag) =	ssettag $0x1  }
0x1: {  	s0 =	rddreg [dreg:$0x1]  }
0x2: {  	s2 =	rddreg [dreg:$0x2]  }
0x3: {  	s3 =	rddreg [dreg:$0x3]  }
0x4: {  	s5 =	rddreg [dreg:$0x4]  }
0x5: {  	s1 =	rddreg [dreg:$0x5]  }
0x6: {  	s6 =	rddreg [dreg:$0x6]  }
0x7: {  	s26 =	stileid.u32;
	s7 =	simm.s32 $0x0;
	s8 =	srdreg.scid  }
0x8: {  	s14 =	simm.s32 $0x3200;
	s15 =	simm.s32 $0x4;
	s16 =	simm.s32 $0x1870  }
0x9: {  	s17 =	simm.s32 $0x100;
	s18 =	simm.s32 $0x4A80;
	s19 =	simm.s32 $0x1980  }
0xa: {  	s20 =	simm.s32 $0x6300;
	s21 =	simm.s32 $0x1;
	s22 =	simm.s32 $0x2  }
0xb: {  	s23 =	simm.s32 $0x3;
	s25 =	simm.s32 $0x80;
	s29 =	simm.s32 $0x0  }
0xc: {  	s4 =	smul.u32 $0x1870, s26;
	[smem:$0x7FF] =	sst s7;
	s24 =	sand.u32 $0x1, s8  }
0xd: {  	s9 =	smul.u32 $0xC0, s26;
	s12 =	sadd.s32 $0x2F5A, s1;
	p1 =	sne.s32 s26, $0xF  }
0xe: {  	v0 =	vlaneseq.u32;
	p3 =	seq.s32 s26, $0xF;
	s26 =	simm.s32 $0x9480;
	s8 =	ssub.s32 $0x2, s24  }
.Ltmp0:
0xf: {  	v2 =	vmul.u32 $0x100, v0;
	_ =	strace $0x80000047;
	p0 =	seq.s32 s24, $0x1;
	v1 =	vmov s4;
	(pc) =	sbr.rel .LBB2_1-.Ltmp0, $4  }
0x10: {  	v0 =	vand.u32 $0x7, v0;
	p2 =	sne.s32 s24, $0x0;
	s24 =	simm.s32 $0x9400;
	s10 =	sshrl.u32 s4, $0x3;
	v1 =	vshll.u32 v1, $0x8  }
0x11: {  	v0 =	vmul.u32 $0x80, v0;
	s11 =	sshrl.u32 s8, $0x1;
	s31 =	sshrl.u32 s9, $0x2;
	s0 =	sadd.s32 s10, s0;
	v1 =	vor.u32 v2, v1  }
0x12: {  	s13 =	ssub.s32 s8, s11;
	s9 =	sadd.s32 s31, s6;
	s10 =	sadd.s32 s1, s10;
	v1 =	vand.u32 $0x1FFF800, v1  }
0x13: {  	s8 =	sadd.s32 $0x400, s0;
	s11 =	sadd.s32 $0x188, s10;
	s13 =	smax.u32 s13, $0x1;
	v0 =	vor.u32 v0, v1  }
.LBB2_12:
0x14: {  	v5 =	vadd.f32 v6, v5;
	_ =	sdelay $0x1  }
0x15: {  	v4 =	vadd.f32 v4, v5;
	_ =	sdelay $0x1  }
0x16: {  	[tilespmem:s4+$0x0] =	vst v4  }
0x17: {  	v4 =	vld [tilespmem:$0x4A40]  }
0x18: {  	v59 =	vld [tilespmem:$0x62C0]  }
0x19: {  	v60 =	vld [tilespmem:$0x7B40]  }
0x1a: {  	v7 =	vld [tilespmem:$0x4A50]  }
0x1b: {  	v8 =	vld [tilespmem:$0x62D0]  }
0x1c: {  	v9 =	vld [tilespmem:$0x4A60]  }
0x1d: {  	v10 =	vld [tilespmem:$0x62E0]  }
0x1e: {  	v11 =	vld [tilespmem:$0x7B50]  }
0x1f: {  	v12 =	vld [tilespmem:$0x7B60];
	v4 =	vmul.f32 v4, v3  }
0x20: {  	v5 =	vmul.f32 v59, v2;
	v7 =	vmul.f32 v7, v3  }
0x21: {  	v3 =	vmul.f32 v9, v3;
	v8 =	vmul.f32 v8, v2  }
0x22: {  	v2 =	vmul.f32 v10, v2;
	v61 =	vmul.f32 v60, v1;
	v4 =	vadd.f32 v5, v4  }
0x23: {  	v63 =	vmul.f32 v11, v1;
	v62 =	vadd.f32 v8, v7  }
0x24: {  	v1 =	vmul.f32 v12, v1;
	v2 =	vadd.f32 v2, v3;
	v4 =	vadd.f32 v61, v4  }
0x25: {  	v3 =	vadd.f32 v63, v62  }
0x26: {  	v1 =	vadd.f32 v1, v2;
	[tilespmem:$0x93C0] =	vst v4  }
0x27: {  	[tilespmem:$0x93D0] =	vst v3  }
0x28: {  	s0 =	simm.s32 @p3 $0x0;
	s1 =	simm.s32 @p3 $0x87C0;
	[tilespmem:$0x93E0] =	vst v1  }
0x29: {  	[hbm4b:s12+s0] =	stream.linear.scatter @p3 [tilespmem:s1], [sflag:$0x4], $0xBD0, $0x38;
	[tilespmem:$0x97B0] =	vst v63  }
0x2a: {  	s0 =	simm.s32 @p3 $0x4  }
0x2b: {  	_ =	swait.ge @p3 [sflag:s0], $0xBD0  }
0x2c: {  	[sflag:s0] =	ssyncset.done @p3 $0x0  }
0x2d: {  	s1 =	simm.s32 @!p3 $0x87C0;
	[sflag:s0] =	ssyncadd.s32 @p3 $0xFFFFF430;
	s0 =	simm.s32 @!p3 $0x0  }
0x2e: {  	[hbm4b:s11+s0] =	stream.linear.scatter @!p3 [tilespmem:s1], [sflag:$0x4], $0xC30, $0x38;
	[tilespmem:$0x97B0] =	vst v63  }
0x2f: {  	s0 =	simm.s32 @!p3 $0x4  }
0x30: {  	_ =	swait.ge @!p3 [sflag:s0], $0xC30  }
0x31: {  	[sflag:s0] =	ssyncset.done @!p3 $0x0  }
0x32: {  	[sflag:s0] =	ssyncadd.s32 @!p3 $0xFFFFF3D0  }
.LBB2_13:
0x33: {  	s29 =	sadd.s32 $0x1, s29  }
0x34: {  	p4 =	sne.s32 s29, s13  }
.Ltmp1:
0x35: {  	_ = 	snop;
	(pc) =	sbr.rel @!p4 .LBB2_14-.Ltmp1, $1  }
0x36: {  	_ =	sdelay $0x3  }
.LBB2_1:
0x37: {  	[tilespmem:s14], [sflag:$0x1] =	stream.linear.gather [hbm4b:s8+s7], $0x1870, $0x38;
	[tilespmem:$0x97B0] =	vst v63  }
0x38: {  	s0 =	rddreg [dreg:$0x0]  }
0x39: {  	[tilespmem:s7], [sflag:$0x4] =	stream.linear.gather [hbm4b:s0+s7], $0x32, $0x38;
	[tilespmem:$0x97B0] =	vst v63  }
0x3a: {  	_ =	swait.ge [sflag:s15], $0x32  }
0x3b: {  	[sflag:s15] =	ssyncset.done $0x0  }
0x3c: {  	[sflag:s15] =	ssyncadd.s32 $0xFFFFFFCE  }
0x3d: {  	v1 =	vld [tilespmem:$0x30];
	_ =	sdelay $0x4  }
0x3e: {  	(v2sf) =	vpush v1, $0x0;
	_ =	sdelay $0x1  }
0x3f: {  	(v2sf) =	vpush v1, $0x1;
	_ =	sdelay $0xc  }
0x40: {  	s31 =	spop (v2sf)  }
0x41: {  	s0 =	smul.u32 $0x1F, s31  }
0x42: {  	s1 =	spop (v2sf)  }
0x43: {  	s4 =	sshll.u32 s1, $0x3;
	s0 =	sadd.s32 s1, s0  }
0x44: {  	s4 =	sand.u32 $0x400, s4;
	s1 =	sand.u32 $0x7F, s1;
	s28 =	sshll.u32 s0, $0x3  }
0x45: {  	v7 =	vadd.s32 $0x1000, v0;
	s0 =	sand.u32 $0x7F, s0;
	s1 =	sor.u32 s1, s4;
	s28 =	sand.u32 $0x400, s28  }
0x46: {  	vm0 =	vlt.s32 v7, $0x1869B80;
	vm14 =	vlt.s32 v7, $0x1868B80;
	v2 =	vmov s1;
	s0 =	sor.u32 s0, s28  }
0x47: {  	vm15 =	vlt.s32 v7, $0x1867B80;
	v5 =	vadd.s32 v2, v0;
	v1 =	vmov s0;
	s0 =	simm.s32 $0x120  }
0x48: {  	v8 =	vnsel vm0, $0x1869B80, v7;
	s1 =	simm.s32 $0x19A0;
	[tilespmem:s0+$0xFFFFFFE0] =	vst v5;
	v6 =	vadd.s32 v1, v0  }
0x49: {  	vm1 =	vlt.s32 v7, $0x1866B80;
	v10 =	vnsel vm14, $0x1868B80, v7;
	v9 =	vadd.s32 v2, v8;
	[tilespmem:s1+$0xFFFFFFE0] =	vst v6  }
0x4a: {  	v3 =	vor.u32 $0x1000, v2;
	v4 =	vor.u32 $0x1000, v1;
	v8 =	vadd.s32 v1, v8;
	[tilespmem:s0+$0xFFFFFFF0] =	vst v9  }
0x4b: {  	v5 =	vor.u32 $0x2000, v2;
	v6 =	vor.u32 $0x2000, v1;
	[tilespmem:s1+$0xFFFFFFF0] =	vst v8;
	v8 =	vadd.s32 v3, v10  }
0x4c: {  	v9 =	vnsel vm15, $0x1867B80, v7;
	v7 =	vnsel vm1, $0x1866B80, v7;
	v10 =	vadd.s32 v4, v10;
	[tilespmem:s0+$0x0] =	vst v8  }
0x4d: {  	s4 =	simm.s32 $0x0;
	v7 =	vadd.s32 $0x3000, v7;
	v8 =	vadd.s32 v6, v9;
	[tilespmem:s1+$0x0] =	vst v10;
	v10 =	vadd.s32 v5, v9  }
.LBB2_2:
0x4e: {  	v9 =	vadd.s32 $0x1000, v7  }
0x4f: {  	s4 =	sadd.s32 $0x4, s4;
	[tilespmem:s0+$0x10] =	vst v10;
	vm0 =	vlt.s32 v9, $0x1869B80  }
0x50: {  	v10 =	vadd.s32 v2, v7;
	s0 =	sadd.s32 $0x40, s0;
	vm1 =	vlt.s32 v9, $0x1868B80;
	p4 =	slt.u32 s4, $0x180;
	[tilespmem:s1+$0x10] =	vst v8  }
0x51: {  	v7 =	vadd.s32 v1, v7;
	[tilespmem:s0+$0xFFFFFFE0] =	vst v10  }
0x52: {  	s1 =	sadd.s32 $0x40, s1;
	v8 =	vnsel vm0, $0x1869B80, v9;
	v10 =	vnsel vm1, $0x1868B80, v9;
	vm0 =	vlt.s32 v9, $0x1867B80  }
.Ltmp2:
0x53: {  	vm1 =	vlt.s32 v9, $0x1866B80;
	[tilespmem:s1+$0xFFFFFFE0] =	vst v7;
	v7 =	vadd.s32 v2, v8;
	(pc) =	sbr.rel @p4 .LBB2_2-.Ltmp2, $4  }
0x54: {  	v11 =	vnsel vm0, $0x1867B80, v9;
	v9 =	vnsel vm1, $0x1866B80, v9;
	[tilespmem:s0+$0xFFFFFFF0] =	vst v7;
	v7 =	vadd.s32 v1, v8  }
0x55: {  	v12 =	vadd.s32 v3, v10;
	v8 =	vadd.s32 v6, v11;
	[tilespmem:s1+$0xFFFFFFF0] =	vst v7;
	v7 =	vadd.s32 $0x3000, v9  }
0x56: {  	v10 =	vadd.s32 v4, v10;
	[tilespmem:s0+$0x0] =	vst v12  }
0x57: {  	[tilespmem:s1+$0x0] =	vst v10;
	v10 =	vadd.s32 v5, v11  }
0x58: {  	[tilespmem:s0+$0x10] =	vst v10;
	v3 =	vadd.s32 $0x4000, v9  }
0x59: {  	v4 =	vadd.s32 v2, v7;
	[tilespmem:s1+$0x10] =	vst v8;
	vm0 =	vlt.s32 v3, $0x1869B80  }
0x5a: {  	vm15 =	vlt.s32 v3, $0x1868B80;
	[tilespmem:$0x1940] =	vst v4;
	v4 =	vadd.s32 v1, v7;
	v5 =	vnsel vm0, $0x1869B80, v3  }
0x5b: {  	v3 =	vnsel vm15, $0x1868B80, v3;
	[tilespmem:$0x31C0] =	vst v4;
	v4 =	vadd.s32 v2, v5  }
0x5c: {  	v3 =	vadd.s32 $0x1000, v3;
	[tilespmem:$0x1950] =	vst v4;
	v4 =	vadd.s32 v1, v5  }
0x5d: {  	v2 =	vadd.s32 v2, v3;
	[tilespmem:$0x31D0] =	vst v4  }
0x5e: {  	v1 =	vadd.s32 v1, v3;
	[tilespmem:$0x1960] =	vst v2  }
0x5f: {  	[tilespmem:$0x31E0] =	vst v1  }
0x60: {  	[tilespmem:s18], [sflag:$0x2] =	stream.indirect.gather [hbm4b:s2+s16], $0x1, s17, s16, $0xb8;
	[tilespmem:$0x97B0] =	vst v63  }
0x61: {  	_ = 	snop  }
0x62: {  	[tilespmem:s20], [sflag:$0x3] =	stream.indirect.gather [hbm4b:s3+s16], $0x1, s19, s16, $0xb8;
	[tilespmem:$0x97B0] =	vst v63  }
0x63: {  	_ =	swait.ge [sflag:s21], $0x1870  }
0x64: {  	[sflag:s21] =	ssyncset.done $0x0  }
0x65: {  	[sflag:s21] =	ssyncadd.s32 $0xFFFFE790  }
0x66: {  	_ =	swait.ge [sflag:s22], $0x1870  }
0x67: {  	[sflag:s22] =	ssyncset.done $0x0  }
0x68: {  	[sflag:s22] =	ssyncadd.s32 $0xFFFFE790  }
0x69: {  	_ =	swait.ge [sflag:s23], $0x1870  }
0x6a: {  	[sflag:s23] =	ssyncset.done $0x0  }
0x6b: {  	v1 =	vimm.f32 @!p1 $0.0e+00;
	[sflag:s23] =	ssyncadd.s32 $0xFFFFE790  }
0x6c: {  	[tilespmem:$0x6290] =	vst @!p1 v1  }
0x6d: {  	[tilespmem:$0x7B10] =	vst @!p1 v1  }
0x6e: {  	[tilespmem:$0x62A0] =	vst @!p1 v1  }
0x6f: {  	[tilespmem:$0x7B20] =	vst @!p1 v1  }
0x70: {  	[tilespmem:$0x62B0] =	vst @!p1 v1  }
0x71: {  	[tilespmem:$0x7B30] =	vst @!p1 v1  }
0x72: {  	[tilespmem:$0x62C0] =	vst @!p1 v1  }
0x73: {  	[tilespmem:$0x7B40] =	vst @!p1 v1  }
0x74: {  	[tilespmem:$0x62D0] =	vst @!p1 v1  }
0x75: {  	[tilespmem:$0x7B50] =	vst @!p1 v1  }
0x76: {  	[tilespmem:$0x62E0] =	vst @!p1 v1  }
0x77: {  	s31 =	simm.s32 $0x6320;
	[tilespmem:$0x7B60] =	vst @!p1 v1  }
0x78: {  	v1 =	vld [tilespmem:s31+$0x10]  }
0x79: {  	v3 =	vld [tilespmem:s31+$0x0]  }
0x7a: {  	v2 =	vld [tilespmem:s31+$0xFFFFFFF0]  }
0x7b: {  	s0 =	simm.s32 $0x3220;
	v7 =	vld [tilespmem:s31+$0xFFFFFFE0]  }
0x7c: {  	s1 =	simm.s32 $0x4AA0;
	v4 =	vld [tilespmem:s0+$0xFFFFFFE0]  }
0x7d: {  	v9 =	vld [tilespmem:s1+$0xFFFFFFE0]  }
0x7e: {  	v11 =	vld [tilespmem:s0+$0xFFFFFFF0]  }
0x7f: {  	v8 =	vld [tilespmem:s1+$0xFFFFFFF0]  }
0x80: {  	v10 =	vimm.f32 $0.0e+00;
	v5 =	vld [tilespmem:s0+$0x0]  }
0x81: {  	v6 =	vld [tilespmem:s1+$0x0];
	v12 =	vadd.f32 v4, v10  }
0x82: {  	v9 =	vadd.f32 v9, v10;
	v4 =	vld [tilespmem:s0+$0x10];
	v10 =	vadd.f32 v7, v10  }
0x83: {  	s4 =	simm.s32 $0x0;
	s28 =	simm.s32 $0x6360;
	v7 =	vld [tilespmem:s1+$0x10];
	v11 =	vadd.f32 v11, v12  }
.LBB2_4:
0x84: {  	v12 =	vld [tilespmem:s28+$0x10];
	v8 =	vadd.f32 v8, v9;
	v9 =	vadd.f32 v2, v10  }
0x85: {  	v10 =	vld [tilespmem:s28+$0x0];
	v5 =	vadd.f32 v5, v11  }
0x86: {  	v2 =	vld [tilespmem:s28+$0xFFFFFFF0];
	v6 =	vadd.f32 v6, v8;
	v3 =	vadd.f32 v3, v9  }
0x87: {  	s0 =	sadd.s32 $0x40, s0;
	v11 =	vld [tilespmem:s28+$0xFFFFFFE0];
	v4 =	vadd.f32 v4, v5  }
0x88: {  	s1 =	sadd.s32 $0x40, s1;
	v9 =	vld [tilespmem:s0+$0xFFFFFFE0];
	v7 =	vadd.f32 v7, v6;
	v13 =	vadd.f32 v1, v3  }
0x89: {  	s4 =	sadd.s32 $0x4, s4;
	v14 =	vld [tilespmem:s1+$0xFFFFFFE0];
	v1 =	vmov v12  }
0x8a: {  	p4 =	slt.u32 s4, $0x180;
	v12 =	vld [tilespmem:s0+$0xFFFFFFF0];
	v3 =	vmov v10  }
.Ltmp3:
0x8b: {  	v8 =	vld [tilespmem:s1+$0xFFFFFFF0];
	(pc) =	sbr.rel @p4 .LBB2_4-.Ltmp3, $4  }
0x8c: {  	v5 =	vld [tilespmem:s0+$0x0]  }
0x8d: {  	v15 =	vadd.f32 v9, v4;
	v6 =	vld [tilespmem:s1+$0x0]  }
0x8e: {  	v10 =	vadd.f32 v11, v13;
	v9 =	vadd.f32 v14, v7;
	v4 =	vld [tilespmem:s0+$0x10]  }
0x8f: {  	s28 =	sadd.s32 $0x40, s28;
	v11 =	vadd.f32 v12, v15;
	v7 =	vld [tilespmem:s1+$0x10]  }
0x90: {  	v12 =	vld [tilespmem:$0x4A40]  }
0x91: {  	v13 =	vld [tilespmem:$0x62C0]  }
0x92: {  	v8 =	vadd.f32 v8, v9;
	v30 =	vld [tilespmem:$0x7B40]  }
0x93: {  	v2 =	vadd.f32 v2, v10;
	v31 =	vld [tilespmem:$0x4A50];
	v5 =	vadd.f32 v5, v11  }
0x94: {  	v32 =	vld [tilespmem:$0x62D0];
	v6 =	vadd.f32 v6, v8  }
0x95: {  	v33 =	vld [tilespmem:$0x4A60];
	v2 =	vadd.f32 v3, v2;
	v3 =	vadd.f32 v4, v5  }
0x96: {  	v4 =	vld [tilespmem:$0x7B50];
	v5 =	vadd.f32 v7, v6  }
0x97: {  	v1 =	vadd.f32 v1, v2;
	v2 =	vadd.f32 v12, v3;
	v3 =	vld [tilespmem:$0x62E0]  }
0x98: {  	v34 =	vld [tilespmem:$0x7B60];
	v5 =	vadd.f32 v13, v5  }
0x99: {  	v1 =	vadd.f32 v30, v1;
	v2 =	vadd.f32 v31, v2  }
0x9a: {  	v5 =	vadd.f32 v32, v5  }
0x9b: {  	v1 =	vadd.f32 v4, v1;
	v2 =	vadd.f32 v33, v2  }
0x9c: {  	v3 =	vadd.f32 v3, v5  }
0x9d: {  	v1 =	vadd.f32 v34, v1;
	[tilespmem:$0x9400] =	vst v2  }
0x9e: {  	[tilespmem:$0x9410] =	vst v3  }
0x9f: {  	[tilespmem:$0x9420] =	vst v1  }
0xa0: {  	[spmem:s9] =	stream.linear.scatter [tilespmem:s24], [sflag:$0x4], $0x30, $0x38;
	[tilespmem:$0x97B0] =	vst v63  }
0xa1: {  	_ =	swait.ge [sflag:s15], $0x30  }
0xa2: {  	[sflag:s15] =	ssyncset.done $0x0  }
0xa3: {  	[sflag:s15] =	ssyncadd.s32 $0xFFFFFFD0  }
0xa4: {  	[tilespmem:s25], [sflag:$0x4] =	stream.linear.gather [hbm4b:s5+s7], $0x3, $0x38;
	[tilespmem:$0x97B0] =	vst v63  }
0xa5: {  	_ =	swait.ge [sflag:s15], $0x3  }
0xa6: {  	[sflag:s15] =	ssyncset.done $0x0  }
0xa7: {  	[sflag:s15] =	ssyncadd.s32 $0xFFFFFFFD  }
0xa8: {  	[bflag:$0x0] =	sbarrier.arrive $0xFFFF  }
0xa9: {  	[tilespmem:s26], [sflag:$0x4] =	stream.linear.gather [spmem:s6], $0x300, $0x38;
	[tilespmem:$0x97B0] =	vst v63  }
0xaa: {  	_ =	swait.ge [sflag:s15], $0x300  }
0xab: {  	[sflag:s15] =	ssyncset.done $0x0  }
0xac: {  	[sflag:s15] =	ssyncadd.s32 $0xFFFFFD00  }
0xad: {  	v1 =	vld [tilespmem:$0x9480]  }
0xae: {  	v2 =	vld [tilespmem:$0x9490]  }
0xaf: {  	v3 =	vld [tilespmem:$0x94A0]  }
0xb0: {  	v4 =	vld [tilespmem:$0x94B0]  }
0xb1: {  	v5 =	vld [tilespmem:$0x94C0]  }
0xb2: {  	v35 =	vld [tilespmem:$0x94D0]  }
0xb3: {  	v36 =	vld [tilespmem:$0x94E0]  }
0xb4: {  	v37 =	vld [tilespmem:$0x94F0]  }
0xb5: {  	v38 =	vld [tilespmem:$0x9500]  }
0xb6: {  	v39 =	vld [tilespmem:$0x9510]  }
0xb7: {  	v40 =	vld [tilespmem:$0x9520]  }
0xb8: {  	v41 =	vld [tilespmem:$0x9530]  }
0xb9: {  	v42 =	vld [tilespmem:$0x9540]  }
0xba: {  	v14 =	vld [tilespmem:$0x9550]  }
0xbb: {  	v15 =	vld [tilespmem:$0x9560]  }
0xbc: {  	v16 =	vld [tilespmem:$0x9570]  }
0xbd: {  	v17 =	vld [tilespmem:$0x9580]  }
0xbe: {  	v18 =	vld [tilespmem:$0x9590]  }
0xbf: {  	v19 =	vld [tilespmem:$0x95A0]  }
0xc0: {  	v20 =	vld [tilespmem:$0x95B0]  }
0xc1: {  	v21 =	vld [tilespmem:$0x95C0];
	v1 =	vadd.f32 $0.0e+00, v1  }
0xc2: {  	v22 =	vld [tilespmem:$0x95D0];
	v2 =	vadd.f32 $0.0e+00, v2  }
0xc3: {  	v43 =	vld [tilespmem:$0x9600];
	v3 =	vadd.f32 $0.0e+00, v3;
	v1 =	vadd.f32 v4, v1  }
0xc4: {  	v44 =	vld [tilespmem:$0x9610];
	v2 =	vadd.f32 v5, v2  }
0xc5: {  	v45 =	vld [tilespmem:$0x9620];
	v3 =	vadd.f32 v35, v3;
	v1 =	vadd.f32 v36, v1  }
0xc6: {  	v46 =	vld [tilespmem:$0x9630];
	v2 =	vadd.f32 v37, v2  }
0xc7: {  	v47 =	vld [tilespmem:$0x9640];
	v3 =	vadd.f32 v38, v3;
	v1 =	vadd.f32 v39, v1  }
0xc8: {  	v48 =	vld [tilespmem:$0x9650];
	v2 =	vadd.f32 v40, v2  }
0xc9: {  	v49 =	vld [tilespmem:$0x9660];
	v3 =	vadd.f32 v41, v3;
	v1 =	vadd.f32 v42, v1  }
0xca: {  	v50 =	vld [tilespmem:$0x9670];
	v2 =	vadd.f32 v14, v2  }
0xcb: {  	v4 =	vld [tilespmem:$0x95E0];
	v3 =	vadd.f32 v15, v3;
	v1 =	vadd.f32 v16, v1  }
0xcc: {  	v5 =	vld [tilespmem:$0x95F0];
	v2 =	vadd.f32 v17, v2  }
0xcd: {  	v51 =	vld [tilespmem:$0x9680];
	v3 =	vadd.f32 v18, v3;
	v1 =	vadd.f32 v19, v1  }
0xce: {  	v52 =	vld [tilespmem:$0x9690];
	v2 =	vadd.f32 v20, v2  }
0xcf: {  	v53 =	vld [tilespmem:$0x96A0];
	v3 =	vadd.f32 v21, v3;
	v1 =	vadd.f32 v22, v1  }
0xd0: {  	v54 =	vld [tilespmem:$0x96D0];
	v2 =	vadd.f32 v4, v2  }
0xd1: {  	v55 =	vld [tilespmem:$0x96E0];
	v3 =	vadd.f32 v5, v3;
	v1 =	vadd.f32 v43, v1  }
0xd2: {  	v56 =	vld [tilespmem:$0x96F0];
	v2 =	vadd.f32 v44, v2  }
0xd3: {  	v4 =	vld [tilespmem:$0x96B0];
	v3 =	vadd.f32 v45, v3;
	v1 =	vadd.f32 v46, v1  }
0xd4: {  	v5 =	vld [tilespmem:$0x96C0];
	v2 =	vadd.f32 v47, v2  }
0xd5: {  	v57 =	vld [tilespmem:$0x9700];
	v3 =	vadd.f32 v48, v3;
	v1 =	vadd.f32 v49, v1  }
0xd6: {  	v58 =	vld [tilespmem:$0x9710];
	v2 =	vadd.f32 v50, v2  }
0xd7: {  	v59 =	vld [tilespmem:$0x9720];
	v3 =	vadd.f32 v51, v3;
	v1 =	vadd.f32 v52, v1  }
0xd8: {  	v60 =	vld [tilespmem:$0x9730];
	v2 =	vadd.f32 v53, v2  }
0xd9: {  	v3 =	vadd.f32 v4, v3;
	v4 =	vld [tilespmem:$0x9740];
	v1 =	vadd.f32 v5, v1  }
0xda: {  	v2 =	vadd.f32 v54, v2;
	v5 =	vld [tilespmem:$0x9750]  }
0xdb: {  	v61 =	vld [tilespmem:$0x9760];
	v3 =	vadd.f32 v55, v3;
	v1 =	vadd.f32 v56, v1  }
0xdc: {  	v62 =	vld [tilespmem:$0x9770];
	v2 =	vadd.f32 v57, v2  }
0xdd: {  	v3 =	vadd.f32 v58, v3;
	v1 =	vadd.f32 v59, v1  }
0xde: {  	v2 =	vadd.f32 v60, v2  }
0xdf: {  	v3 =	vadd.f32 v4, v3;
	v1 =	vadd.f32 v5, v1  }
0xe0: {  	v2 =	vadd.f32 v61, v2  }
0xe1: {  	v3 =	vadd.f32 v62, v3;
	(v2sf) =	vpush v1, $0x0  }
0xe2: {  	(v2sf) =	vpush v2, $0x0  }
0xe3: {  	(v2sf) =	vpush v3, $0x0  }
0xe4: {  	(v2sf) =	vpush v1, $0x1  }
0xe5: {  	(v2sf) =	vpush v2, $0x1  }
0xe6: {  	(v2sf) =	vpush v3, $0x1  }
0xe7: {  	(v2sf) =	vpush v1, $0x2  }
0xe8: {  	(v2sf) =	vpush v2, $0x2  }
0xe9: {  	(v2sf) =	vpush v3, $0x2  }
0xea: {  	(v2sf) =	vpush v1, $0x3  }
0xeb: {  	(v2sf) =	vpush v2, $0x3  }
0xec: {  	(v2sf) =	vpush v3, $0x3  }
0xed: {  	(v2sf) =	vpush v1, $0x4  }
0xee: {  	(v2sf) =	vpush v2, $0x4  }
0xef: {  	(v2sf) =	vpush v3, $0x4  }
0xf0: {  	s0 =	spop (v2sf);
	(v2sf) =	vpush v1, $0x5  }
0xf1: {  	s1 =	spop (v2sf);
	(v2sf) =	vpush v2, $0x5  }
0xf2: {  	s4 =	spop (v2sf);
	(v2sf) =	vpush v3, $0x5  }
0xf3: {  	s28 =	spop (v2sf);
	(v2sf) =	vpush v1, $0x6  }
0xf4: {  	s0 =	sadd.f32 s28, s0;
	s30 =	spop (v2sf);
	(v2sf) =	vpush v2, $0x6  }
0xf5: {  	s1 =	sadd.f32 s30, s1;
	s31 =	spop (v2sf);
	(v2sf) =	vpush v3, $0x6  }
0xf6: {  	s4 =	sadd.f32 s31, s4;
	s30 =	spop (v2sf);
	(v2sf) =	vpush v1, $0x7  }
0xf7: {  	s0 =	sadd.f32 s0, s30;
	s31 =	spop (v2sf);
	(v2sf) =	vpush v2, $0x7  }
0xf8: {  	s1 =	sadd.f32 s1, s31;
	s30 =	spop (v2sf);
	(v2sf) =	vpush v3, $0x7  }
0xf9: {  	s4 =	sadd.f32 s4, s30;
	s31 =	spop (v2sf);
	(v2sf) =	vpush v1, $0x8  }
0xfa: {  	s0 =	sadd.f32 s0, s31;
	s30 =	spop (v2sf);
	(v2sf) =	vpush v2, $0x8  }
0xfb: {  	s1 =	sadd.f32 s1, s30;
	s31 =	spop (v2sf);
	(v2sf) =	vpush v3, $0x8  }
0xfc: {  	s4 =	sadd.f32 s4, s31;
	s30 =	spop (v2sf);
	(v2sf) =	vpush v1, $0x9  }
0xfd: {  	s0 =	sadd.f32 s0, s30;
	s31 =	spop (v2sf);
	(v2sf) =	vpush v2, $0x9  }
0xfe: {  	s1 =	sadd.f32 s1, s31;
	s30 =	spop (v2sf);
	(v2sf) =	vpush v3, $0x9  }
0xff: {  	s4 =	sadd.f32 s4, s30;
	s31 =	spop (v2sf);
	(v2sf) =	vpush v1, $0xA  }
0x100: {  	s0 =	sadd.f32 s0, s31;
	s30 =	spop (v2sf);
	(v2sf) =	vpush v2, $0xA  }
0x101: {  	s1 =	sadd.f32 s1, s30;
	s31 =	spop (v2sf);
	(v2sf) =	vpush v3, $0xA  }
0x102: {  	s4 =	sadd.f32 s4, s31;
	s30 =	spop (v2sf);
	(v2sf) =	vpush v1, $0xB  }
0x103: {  	s0 =	sadd.f32 s0, s30;
	s31 =	spop (v2sf);
	(v2sf) =	vpush v2, $0xB  }
0x104: {  	s1 =	sadd.f32 s1, s31;
	s30 =	spop (v2sf);
	(v2sf) =	vpush v3, $0xB  }
0x105: {  	s4 =	sadd.f32 s4, s30;
	s31 =	spop (v2sf);
	(v2sf) =	vpush v1, $0xC  }
0x106: {  	s0 =	sadd.f32 s0, s31;
	s30 =	spop (v2sf);
	(v2sf) =	vpush v2, $0xC  }
0x107: {  	s1 =	sadd.f32 s1, s30;
	s31 =	spop (v2sf);
	(v2sf) =	vpush v3, $0xC  }
0x108: {  	s4 =	sadd.f32 s4, s31;
	s30 =	spop (v2sf);
	(v2sf) =	vpush v1, $0xD  }
0x109: {  	s0 =	sadd.f32 s0, s30;
	s31 =	spop (v2sf);
	(v2sf) =	vpush v2, $0xD  }
0x10a: {  	s1 =	sadd.f32 s1, s31;
	s30 =	spop (v2sf);
	(v2sf) =	vpush v3, $0xD  }
0x10b: {  	s4 =	sadd.f32 s4, s30;
	s31 =	spop (v2sf);
	(v2sf) =	vpush v1, $0xE  }
0x10c: {  	s0 =	sadd.f32 s0, s31;
	s30 =	spop (v2sf);
	(v2sf) =	vpush v2, $0xE  }
0x10d: {  	s1 =	sadd.f32 s1, s30;
	s31 =	spop (v2sf);
	(v2sf) =	vpush v3, $0xE  }
0x10e: {  	s4 =	sadd.f32 s4, s31;
	s30 =	spop (v2sf);
	(v2sf) =	vpush v1, $0xF  }
0x10f: {  	s0 =	sadd.f32 s0, s30;
	s31 =	spop (v2sf);
	(v2sf) =	vpush v2, $0xF  }
0x110: {  	s1 =	sadd.f32 s1, s31;
	s30 =	spop (v2sf);
	(v2sf) =	vpush v3, $0xF  }
0x111: {  	s4 =	sadd.f32 s4, s30;
	s31 =	spop (v2sf)  }
0x112: {  	s0 =	sadd.f32 s0, s31;
	s30 =	spop (v2sf)  }
0x113: {  	s1 =	sadd.f32 s1, s30;
	s31 =	spop (v2sf)  }
0x114: {  	s4 =	sadd.f32 s4, s31;
	s30 =	spop (v2sf)  }
0x115: {  	s0 =	sadd.f32 s0, s30;
	s31 =	spop (v2sf)  }
0x116: {  	s1 =	sadd.f32 s1, s31;
	s30 =	spop (v2sf)  }
0x117: {  	s4 =	sadd.f32 s4, s30;
	s31 =	spop (v2sf)  }
0x118: {  	s0 =	sadd.f32 s0, s31;
	s30 =	spop (v2sf)  }
0x119: {  	s1 =	sadd.f32 s1, s30;
	s31 =	spop (v2sf)  }
0x11a: {  	s4 =	sadd.f32 s4, s31;
	s30 =	spop (v2sf)  }
0x11b: {  	s0 =	sadd.f32 s0, s30;
	s31 =	spop (v2sf)  }
0x11c: {  	s1 =	sadd.f32 s1, s31;
	s30 =	spop (v2sf)  }
0x11d: {  	s4 =	sadd.f32 s4, s30;
	s31 =	spop (v2sf)  }
0x11e: {  	s0 =	sadd.f32 s0, s31;
	s30 =	spop (v2sf)  }
0x11f: {  	s1 =	sadd.f32 s1, s30;
	s31 =	spop (v2sf)  }
0x120: {  	s4 =	sadd.f32 s4, s31;
	v1 =	vmov s0  }
0x121: {  	(erf) = vrcp.f32 v1;
	v1 =	vmov s1  }
0x122: {  	(erf) = vrcp.f32 v1;
	v1 =	vmov s4  }
0x123: {  	(erf) = vrcp.f32 v1;
	_ =	sdelay $0x1  }
0x124: {  	v1 =	vld [tilespmem:$0x80];
	_ =	sdelay $0x3  }
.Ltmp4:
0x125: {  	_ = 	snop;
	(pc) =	sbr.rel @p2 .LBB2_9-.Ltmp4, $4  }
0x126: {  	v3 =	vbroadcast v1, $0x0;
	v2 =	vpop (erf)  }
0x127: {  	v5 =	vbroadcast v1, $0x1;
	v1 =	vbroadcast v1, $0x2;
	v4 =	vpop (erf)  }
0x128: {  	v3 =	vmul.f32 v2, v3;
	v63 =	vpop (erf)  }
0x129: {  	v2 =	vmul.f32 v4, v5;
	v1 =	vmul.f32 v63, v1  }
0x12a: {  	s0 =	simm.s32 $0x4AA0  }
0x12b: {  	s1 =	simm.s32 $0x3220;
	v4 =	vld [tilespmem:s0+$0xFFFFFFE0]  }
0x12c: {  	v5 =	vld [tilespmem:s1+$0xFFFFFFE0]  }
0x12d: {  	s30 =	simm.s32 $0x6320  }
0x12e: {  	v6 =	vld [tilespmem:s30+$0xFFFFFFE0];
	_ =	sdelay $0x2  }
0x12f: {  	v5 =	vmul.f32 v5, v3;
	v4 =	vmul.f32 v4, v2;
	_ =	sdelay $0x1  }
0x130: {  	v4 =	vadd.f32 v4, v5;
	v5 =	vmul.f32 v6, v1;
	_ =	sdelay $0x1  }
0x131: {  	v4 =	vadd.f32 v5, v4  }
0x132: {  	s31 =	simm.s32 $0x7BA0  }
0x133: {  	[tilespmem:s31+$0xFFFFFFE0] =	vst v4  }
0x134: {  	v4 =	vld [tilespmem:s0+$0xFFFFFFF0]  }
0x135: {  	v5 =	vld [tilespmem:s1+$0xFFFFFFF0];
	_ =	sdelay $0x1  }
0x136: {  	v6 =	vld [tilespmem:s30+$0xFFFFFFF0];
	_ =	sdelay $0x2  }
0x137: {  	v5 =	vmul.f32 v5, v3;
	v4 =	vmul.f32 v4, v2;
	_ =	sdelay $0x1  }
0x138: {  	v4 =	vadd.f32 v4, v5;
	v5 =	vmul.f32 v6, v1;
	_ =	sdelay $0x1  }
0x139: {  	v4 =	vadd.f32 v5, v4;
	_ =	sdelay $0x1  }
0x13a: {  	[tilespmem:s31+$0xFFFFFFF0] =	vst v4  }
0x13b: {  	v4 =	vld [tilespmem:s1+$0x0]  }
0x13c: {  	v5 =	vld [tilespmem:s0+$0x0];
	_ =	sdelay $0x1  }
0x13d: {  	v6 =	vld [tilespmem:s30+$0x0];
	_ =	sdelay $0x2  }
0x13e: {  	v4 =	vmul.f32 v4, v3;
	v5 =	vmul.f32 v5, v2;
	_ =	sdelay $0x1  }
0x13f: {  	v4 =	vadd.f32 v5, v4;
	v5 =	vmul.f32 v6, v1;
	_ =	sdelay $0x1  }
0x140: {  	v4 =	vadd.f32 v5, v4;
	_ =	sdelay $0x1  }
0x141: {  	[tilespmem:s31+$0x0] =	vst v4  }
0x142: {  	v4 =	vld [tilespmem:s1+$0x10]  }
0x143: {  	v6 =	vld [tilespmem:s0+$0x10]  }
0x144: {  	v7 =	vld [tilespmem:s30+$0x10];
	_ =	sdelay $0x3  }
0x145: {  	s28 =	simm.s32 $0x4AE0;
	v5 =	vmul.f32 v4, v3;
	v6 =	vmul.f32 v6, v2  }
0x146: {  	s4 =	simm.s32 $0x7BA0;
	s1 =	simm.s32 $0x0;
	s0 =	simm.s32 $0x3260;
	v4 =	vmul.f32 v7, v1  }
.LBB2_7:
0x147: {  	s1 =	sadd.s32 $0x4, s1;
	v5 =	vadd.f32 v6, v5;
	s31 =	sadd.s32 $0x40, s31;
	s30 =	sadd.s32 $0x40, s30  }
0x148: {  	p4 =	slt.u32 s1, $0xC0  }
0x149: {  	v4 =	vadd.f32 v4, v5;
	_ =	sdelay $0x1  }
0x14a: {  	[tilespmem:s4+$0x10] =	vst v4;
	s4 =	smov.u32 s31  }
0x14b: {  	v4 =	vld [tilespmem:s28+$0xFFFFFFE0]  }
0x14c: {  	v5 =	vld [tilespmem:s0+$0xFFFFFFE0];
	_ =	sdelay $0x1  }
0x14d: {  	v6 =	vld [tilespmem:s30+$0xFFFFFFE0];
	_ =	sdelay $0x2  }
0x14e: {  	v4 =	vmul.f32 v4, v2;
	v5 =	vmul.f32 v5, v3;
	_ =	sdelay $0x1  }
0x14f: {  	v4 =	vadd.f32 v4, v5;
	v5 =	vmul.f32 v6, v1;
	_ =	sdelay $0x1  }
0x150: {  	v4 =	vadd.f32 v5, v4;
	_ =	sdelay $0x1  }
0x151: {  	[tilespmem:s31+$0xFFFFFFE0] =	vst v4  }
0x152: {  	v4 =	vld [tilespmem:s28+$0xFFFFFFF0]  }
0x153: {  	v5 =	vld [tilespmem:s0+$0xFFFFFFF0];
	_ =	sdelay $0x1  }
0x154: {  	v6 =	vld [tilespmem:s30+$0xFFFFFFF0];
	_ =	sdelay $0x2  }
0x155: {  	v4 =	vmul.f32 v4, v2;
	v5 =	vmul.f32 v5, v3;
	_ =	sdelay $0x1  }
0x156: {  	v4 =	vadd.f32 v4, v5;
	v5 =	vmul.f32 v6, v1;
	_ =	sdelay $0x1  }
0x157: {  	v4 =	vadd.f32 v5, v4;
	_ =	sdelay $0x1  }
0x158: {  	[tilespmem:s31+$0xFFFFFFF0] =	vst v4  }
0x159: {  	v4 =	vld [tilespmem:s0+$0x0]  }
0x15a: {  	v5 =	vld [tilespmem:s28+$0x0];
	_ =	sdelay $0x1  }
0x15b: {  	v6 =	vld [tilespmem:s30+$0x0];
	_ =	sdelay $0x1  }
0x15c: {  	v4 =	vmul.f32 v4, v3  }
0x15d: {  	v5 =	vmul.f32 v5, v2;
	_ =	sdelay $0x1  }
0x15e: {  	v4 =	vadd.f32 v5, v4;
	v5 =	vmul.f32 v6, v1;
	_ =	sdelay $0x1  }
0x15f: {  	v4 =	vadd.f32 v5, v4;
	_ =	sdelay $0x1  }
0x160: {  	[tilespmem:s31+$0x0] =	vst v4  }
0x161: {  	v4 =	vld [tilespmem:s0+$0x10]  }
0x162: {  	v6 =	vld [tilespmem:s28+$0x10]  }
0x163: {  	v7 =	vld [tilespmem:s30+$0x10]  }
.Ltmp5:
0x164: {  	(pc) =	sbr.rel @p4 .LBB2_7-.Ltmp5, $3  }
0x165: {  	_ =	sdelay $0x1  }
0x166: {  	v5 =	vmul.f32 v4, v3;
	v6 =	vmul.f32 v6, v2  }
0x167: {  	s0 =	sadd.s32 $0x40, s0;
	s28 =	sadd.s32 $0x40, s28;
	v4 =	vmul.f32 v7, v1  }
0x168: {  	v5 =	vadd.f32 v6, v5;
	_ =	sdelay $0x1  }
0x169: {  	v4 =	vadd.f32 v4, v5;
	_ =	sdelay $0x1  }
0x16a: {  	s0 =	simm.s32 $0x7B80;
	[tilespmem:s4+$0x10] =	vst v4  }
0x16b: {  	[hbm4b:s10+s7] =	stream.linear.scatter [tilespmem:s0], [sflag:$0x4], $0xC40, $0x38;
	[tilespmem:$0x97B0] =	vst v63  }
0x16c: {  	_ =	swait.ge [sflag:s15], $0xC40  }
0x16d: {  	[sflag:s15] =	ssyncset.done $0x0  }
0x16e: {  	[sflag:s15] =	ssyncadd.s32 $0xFFFFF3C0  }
.LBB2_9:
.Ltmp6:
0x16f: {  	(pc) =	sbr.rel @!p0 .LBB2_13-.Ltmp6, $1  }
0x170: {  	_ =	sdelay $0x3  }
0x171: {  	s0 =	simm.s32 $0x56F0  }
0x172: {  	s1 =	simm.s32 $0x3E70;
	v4 =	vld [tilespmem:s0+$0xFFFFFFD0]  }
0x173: {  	v5 =	vld [tilespmem:s1+$0xFFFFFFD0]  }
0x174: {  	s30 =	simm.s32 $0x6F70  }
0x175: {  	v6 =	vld [tilespmem:s30+$0xFFFFFFD0];
	_ =	sdelay $0x2  }
0x176: {  	v5 =	vmul.f32 v5, v3;
	v4 =	vmul.f32 v4, v2;
	_ =	sdelay $0x1  }
0x177: {  	v4 =	vadd.f32 v4, v5;
	v5 =	vmul.f32 v6, v1;
	_ =	sdelay $0x1  }
0x178: {  	v4 =	vadd.f32 v5, v4  }
0x179: {  	s31 =	simm.s32 $0x87F0  }
0x17a: {  	[tilespmem:s31+$0xFFFFFFD0] =	vst v4  }
0x17b: {  	v4 =	vld [tilespmem:s0+$0xFFFFFFE0]  }
0x17c: {  	v5 =	vld [tilespmem:s1+$0xFFFFFFE0];
	_ =	sdelay $0x1  }
0x17d: {  	v6 =	vld [tilespmem:s30+$0xFFFFFFE0];
	_ =	sdelay $0x2  }
0x17e: {  	v5 =	vmul.f32 v5, v3;
	v4 =	vmul.f32 v4, v2;
	_ =	sdelay $0x1  }
0x17f: {  	v4 =	vadd.f32 v4, v5;
	v5 =	vmul.f32 v6, v1;
	_ =	sdelay $0x1  }
0x180: {  	v4 =	vadd.f32 v5, v4;
	_ =	sdelay $0x1  }
0x181: {  	[tilespmem:s31+$0xFFFFFFE0] =	vst v4  }
0x182: {  	v4 =	vld [tilespmem:s1+$0xFFFFFFF0]  }
0x183: {  	v5 =	vld [tilespmem:s0+$0xFFFFFFF0];
	_ =	sdelay $0x1  }
0x184: {  	v6 =	vld [tilespmem:s30+$0xFFFFFFF0];
	_ =	sdelay $0x2  }
0x185: {  	v4 =	vmul.f32 v4, v3;
	v5 =	vmul.f32 v5, v2;
	_ =	sdelay $0x1  }
0x186: {  	v4 =	vadd.f32 v5, v4;
	v5 =	vmul.f32 v6, v1;
	_ =	sdelay $0x1  }
0x187: {  	v4 =	vadd.f32 v5, v4;
	_ =	sdelay $0x1  }
0x188: {  	[tilespmem:s31+$0xFFFFFFF0] =	vst v4  }
0x189: {  	v4 =	vld [tilespmem:s1+$0x0]  }
0x18a: {  	v6 =	vld [tilespmem:s0+$0x0]  }
0x18b: {  	v7 =	vld [tilespmem:s30+$0x0];
	_ =	sdelay $0x3  }
0x18c: {  	s28 =	simm.s32 $0x5730;
	v5 =	vmul.f32 v4, v3;
	v6 =	vmul.f32 v6, v2  }
0x18d: {  	s4 =	simm.s32 $0x87F0;
	s1 =	simm.s32 $0xC4;
	s0 =	simm.s32 $0x3EB0;
	v4 =	vmul.f32 v7, v1  }
.LBB2_11:
0x18e: {  	s1 =	sadd.s32 $0x4, s1;
	v5 =	vadd.f32 v6, v5;
	s31 =	sadd.s32 $0x40, s31;
	s30 =	sadd.s32 $0x40, s30  }
0x18f: {  	p4 =	slt.u32 s1, $0x180  }
0x190: {  	v4 =	vadd.f32 v4, v5;
	_ =	sdelay $0x1  }
0x191: {  	[tilespmem:s4+$0x0] =	vst v4;
	s4 =	smov.u32 s31  }
0x192: {  	v4 =	vld [tilespmem:s28+$0xFFFFFFD0]  }
0x193: {  	v5 =	vld [tilespmem:s0+$0xFFFFFFD0];
	_ =	sdelay $0x1  }
0x194: {  	v6 =	vld [tilespmem:s30+$0xFFFFFFD0];
	_ =	sdelay $0x2  }
0x195: {  	v4 =	vmul.f32 v4, v2;
	v5 =	vmul.f32 v5, v3;
	_ =	sdelay $0x1  }
0x196: {  	v4 =	vadd.f32 v4, v5;
	v5 =	vmul.f32 v6, v1;
	_ =	sdelay $0x1  }
0x197: {  	v4 =	vadd.f32 v5, v4;
	_ =	sdelay $0x1  }
0x198: {  	[tilespmem:s31+$0xFFFFFFD0] =	vst v4  }
0x199: {  	v4 =	vld [tilespmem:s28+$0xFFFFFFE0]  }
0x19a: {  	v5 =	vld [tilespmem:s0+$0xFFFFFFE0];
	_ =	sdelay $0x1  }
0x19b: {  	v6 =	vld [tilespmem:s30+$0xFFFFFFE0];
	_ =	sdelay $0x2  }
0x19c: {  	v4 =	vmul.f32 v4, v2;
	v5 =	vmul.f32 v5, v3;
	_ =	sdelay $0x1  }
0x19d: {  	v4 =	vadd.f32 v4, v5;
	v5 =	vmul.f32 v6, v1;
	_ =	sdelay $0x1  }
0x19e: {  	v4 =	vadd.f32 v5, v4;
	_ =	sdelay $0x1  }
0x19f: {  	[tilespmem:s31+$0xFFFFFFE0] =	vst v4  }
0x1a0: {  	v4 =	vld [tilespmem:s0+$0xFFFFFFF0]  }
0x1a1: {  	v5 =	vld [tilespmem:s28+$0xFFFFFFF0];
	_ =	sdelay $0x1  }
0x1a2: {  	v6 =	vld [tilespmem:s30+$0xFFFFFFF0];
	_ =	sdelay $0x1  }
0x1a3: {  	v4 =	vmul.f32 v4, v3  }
0x1a4: {  	v5 =	vmul.f32 v5, v2;
	_ =	sdelay $0x1  }
0x1a5: {  	v4 =	vadd.f32 v5, v4;
	v5 =	vmul.f32 v6, v1;
	_ =	sdelay $0x1  }
0x1a6: {  	v4 =	vadd.f32 v5, v4;
	_ =	sdelay $0x1  }
0x1a7: {  	[tilespmem:s31+$0xFFFFFFF0] =	vst v4  }
0x1a8: {  	v4 =	vld [tilespmem:s0+$0x0]  }
0x1a9: {  	v6 =	vld [tilespmem:s28+$0x0]  }
0x1aa: {  	v7 =	vld [tilespmem:s30+$0x0]  }
.Ltmp7:
0x1ab: {  	(pc) =	sbr.rel @p4 .LBB2_11-.Ltmp7, $3  }
0x1ac: {  	_ =	sdelay $0x1  }
0x1ad: {  	v5 =	vmul.f32 v4, v3;
	v6 =	vmul.f32 v6, v2  }
0x1ae: {  	s0 =	sadd.s32 $0x40, s0;
	s28 =	sadd.s32 $0x40, s28;
	v4 =	vmul.f32 v7, v1  }
.Ltmp8:
0x1af: {  	_ = 	snop;
	(pc) =	sbr.rel .LBB2_12-.Ltmp8, $1  }
0x1b0: {  	_ =	sdelay $0x3  }
.LBB2_14:
0x1b1: {  	_ =	sfence.sel $0x180000  }
0x1b2: {  	[bflag:$0x0] =	sbarrier.arrive $0xFFFF  }
0x1b3: {  	_ =	strace $0x90000047  }
0x1b4: {  	s0 =	stileid.u32;
	[bflag:$0x2] =	sbarrier.arrive $0xFFFF  }
0x1b5: {  	p0 =	sne.s32 s0, $0x0;
	s0 =	rddreg [dreg:$0x7]  }
0x1b6: {  	s0 =	sadd.s32 @!p0 $0x100000, s0  }
0x1b7: {  	[sflag:s0] =	ssyncadd.tile.s32 @!p0 $0x1;
	_ =	shalt  }
.Lfunc_end2:
_tile_overlayer_lowered:
.L_overlay_start_2:
0x1b8: {  	(tag) =	ssettag $0x2  }
0x1b9: {  	s0 =	rddreg [dreg:$0x0];
	s2 =	stileid.u32  }
0x1ba: {  	s1 =	rddreg [dreg:$0x1];
	p0 =	sne.s32 s2, $0x0  }
0x1bb: {  	s3 =	rddreg [dreg:$0x2];
	[bflag:$0x3] =	sbarrier.arrive $0xFFFF;
	s2 =	simm.s32 @!p0 $0x1C04  }
0x1bc: {  	[timem:s3], [sflag:s2] =	dma.local @!p0 [hbm:s0], s1  }
0x1bd: {  	s0 =	simm.s32 @!p0 $0x4  }
0x1be: {  	_ =	swait.ge @!p0 [sflag:s0], s1  }
0x1bf: {  	s1 =	ssub.s32 @!p0 $0x0, s1;
	[sflag:s0] =	ssyncset.done @!p0 $0x0  }
0x1c0: {  	[sflag:s0] =	ssyncadd.s32 @!p0 s1  }
0x1c1: {  	[bflag:$0x3] =	sbarrier.arrive $0xFFFF  }
0x1c2: {  	_ =	shalt  }

</sc_bundles>
